<compile_context>
chip_gen: v7x
topology: tpu7x:2x2x1
jax: 0.10.2.dev20260603
libtpu: 0.0.44.dev20260713+nightly
codegen_flags: <defaults>
</compile_context>

<pallas_src>
import functools

import jax
import jax.numpy as jnp
from jax import lax
from jax.experimental import pallas as pl
from jax.experimental.pallas import tpu as pltpu
from jax.experimental.pallas import tpu_sc as plsc

_B, _H, _W = 4, 224, 224
_HW = _H * _W
_T = 224
_C2 = 256
_NW = 32
_CP = _C2 // _NW
_CHUNK = 3136
_NCH = _HW // _CHUNK
_NT = _B * _NCH
_VPC = _CHUNK // 16

_mesh = plsc.VectorSubcoreMesh(core_axis_name="c", subcore_axis_name="s")


@functools.partial(
    pl.kernel,
    mesh=_mesh,
    out_type=jax.ShapeDtypeStruct((_B * _C2 * _HW,), jnp.float32),
    scratch_types=[
        pltpu.VMEM((_CP * _T,), jnp.float32),
        pltpu.VMEM((_CHUNK,), jnp.int32),
        pltpu.VMEM((_CP * _CHUNK,), jnp.float32),
    ],
    compiler_params=pltpu.CompilerParams(needs_layout_passes=False),
)
def _sc_kernel(tcat_hbm, ij_hbm, out_hbm, tbl_v, idx_v, outb_v):
    wid = lax.axis_index("s") * 2 + lax.axis_index("c")
    c0 = wid * _CP
    tsel = wid // (_NW // 2)
    pltpu.sync_copy(tcat_hbm.at[pl.ds(c0 * _T, _CP * _T)], tbl_v)

    def chunk_body(t, carry):
        b = t // _NCH
        off = (t % _NCH) * _CHUNK
        src = tsel * (_B * _HW) + b * _HW + off
        pltpu.sync_copy(ij_hbm.at[pl.ds(src, _CHUNK)], idx_v)

        def vec_body(v, c2):
            pos = pl.multiple_of(v * 16, 16)
            idxv = idx_v[pl.ds(pos, 16)]
            for cc in range(_CP):
                vals = plsc.load_gather(tbl_v, [idxv + cc * _T])
                outb_v[pl.ds(cc * _CHUNK + pos, 16)] = vals
            return c2

        lax.fori_loop(0, _VPC, vec_body, 0)

        dstbase = (b * _C2 + c0) * _HW + off
        for cc in range(_CP):
            pltpu.sync_copy(
                outb_v.at[pl.ds(cc * _CHUNK, _CHUNK)],
                out_hbm.at[pl.ds(dstbase + cc * _HW, _CHUNK)])
        return carry

    lax.fori_loop(0, _NT, chunk_body, 0)


def kernel(i, j, table_i, table_j):
    tcat = jnp.concatenate([table_i.T, table_j.T], axis=0).reshape(-1)
    ij = jnp.stack([i.reshape(_B, _HW), j.reshape(_B, _HW)]
                   ).reshape(-1).astype(jnp.int32)
    out = _sc_kernel(tcat, ij)
    return out.reshape(_B, _C2, _H, _W)

# --- scband reference (transcript-rebuilt; emitter-appended) ---
"""Pipeline reference for scband-position-embedding-11948599017628 (READ-ONLY COPY).

The authoritative reference and input builder live on the scoring server;
editing this copy changes nothing except your own understanding.
"""

import jax, jax.numpy as jnp
import numpy as np


def _build_embedding(max_steps):
    steps = jnp.arange(max_steps, dtype=jnp.float32)[:, None]
    dims = jnp.arange(64, dtype=jnp.float32)[None, :]
    table = steps * 10.0 ** (dims * 4.0 / 63.0)
    return jnp.concatenate([jnp.sin(table), jnp.cos(table)], axis=1)  # [max_steps, 128]


def setup_inputs(seed: int = 0) -> dict:
    key = jax.random.key(seed)
    k1, k2 = jax.random.split(key)
    B, H, W = 4, 224, 224
    max_height, max_width = 224, 224
    i = jax.random.randint(k1, (B, H, W), 0, max_height, dtype=jnp.int64 if jax.config.jax_enable_x64 else jnp.int32)
    j = jax.random.randint(k2, (B, H, W), 0, max_width, dtype=jnp.int64 if jax.config.jax_enable_x64 else jnp.int32)
    table_i = _build_embedding(max_height)
    table_j = _build_embedding(max_width)
    return {"i": i, "j": j, "table_i": table_i, "table_j": table_j}


def reference(i, j, table_i, table_j):
    # integer indices -> plain gather path (table[t])
    emb_i = jnp.take(table_i, i, axis=0)  # [B, H, W, 128]
    emb_j = jnp.take(table_j, j, axis=0)  # [B, H, W, 128]
    emb_i = jnp.transpose(emb_i, (0, 3, 1, 2))  # [B, 128, H, W]
    emb_j = jnp.transpose(emb_j, (0, 3, 1, 2))  # [B, 128, H, W]
    x = jnp.concatenate([emb_i, emb_j], axis=1)  # [B, 256, H, W]
    return x

if __name__ == "__main__":
    import jax
    _d = setup_inputs()
    print(jax.jit(kernel)(*tuple(_d.values())))

</pallas_src>

<mosaic_0001>
#map = affine_map<(d0, d1) -> (0)>
module attributes {stable_mosaic.version = 14 : i64} {
  func.func @_sc_kernel(%arg0: i32, %arg1: i32, %arg2: memref<57344xf32, #tpu.memory_space<hbm>>, %arg3: memref<401408xi32, #tpu.memory_space<hbm>>, %arg4: memref<51380224xf32, #tpu.memory_space<hbm>>, %arg5: memref<1792xf32, #tpu.memory_space<vmem>>, %arg6: memref<3136xi32, #tpu.memory_space<vmem>>, %arg7: memref<25088xf32, #tpu.memory_space<vmem>>) attributes {dimension_semantics = [#tpu.dimension_semantics<core_parallel>, #tpu.dimension_semantics<subcore_parallel>], iteration_bounds = array<i64: 2, 16>, scalar_prefetch = 0 : i64, scratch_operands = 3 : i64, tpu.core_type = #tpu.core_type<sc_vector_subcore>, window_params = [{transform_indices = #map}, {transform_indices = #map}, {transform_indices = #map}]} {
    %mul3A = arith.constant 2 : i32
    %mul3A_0 = arith.muli %arg1, %mul3A : i32
    %add3A = arith.addi %mul3A_0, %arg0 : i32
    %mul3A_1 = arith.constant 8 : i32
    %mul3A_2 = arith.muli %add3A, %mul3A_1 : i32
    %jit3A = arith.constant 16 : i32
    %div3A = arith.divsi %add3A, %jit3A : i32
    %sign3A = arith.constant 0 : i32
    %sign3A_3 = arith.cmpi sgt, %add3A, %sign3A : i32
    %sign3A_4 = arith.extui %sign3A_3 : i1 to i32
    %sign3A_5 = arith.constant 0 : i32
    %sign3A_6 = arith.cmpi slt, %add3A, %sign3A_5 : i32
    %sign3A_7 = arith.extui %sign3A_6 : i1 to i32
    %sign3A_8 = arith.subi %sign3A_4, %sign3A_7 : i32
    %sign3A_9 = arith.constant 0 : i32
    %sign3A_10 = arith.cmpi sgt, %jit3A, %sign3A_9 : i32
    %sign3A_11 = arith.extui %sign3A_10 : i1 to i32
    %sign3A_12 = arith.constant 0 : i32
    %sign3A_13 = arith.cmpi slt, %jit3A, %sign3A_12 : i32
    %sign3A_14 = arith.extui %sign3A_13 : i1 to i32
    %sign3A_15 = arith.subi %sign3A_11, %sign3A_14 : i32
    %ne3A = arith.cmpi ne, %sign3A_8, %sign3A_15 : i32
    %rem3A = arith.remsi %add3A, %jit3A : i32
    %ne3A_16 = arith.constant 0 : i32
    %ne3A_17 = arith.cmpi ne, %rem3A, %ne3A_16 : i32
    %and3A = arith.andi %ne3A, %ne3A_17 : i1
    %sub3A = arith.constant 1 : i32
    %sub3A_18 = arith.subi %div3A, %sub3A : i32
    %select_n3A = arith.select %and3A, %sub3A_18, %div3A : i32
    %mul3A_19 = arith.constant 224 : i32
    %mul3A_20 = arith.muli %mul3A_2, %mul3A_19 : i32
    "tpu.region"() ({
      %run_scoped3A = tpu.sem_alloc : memref<!tpu.dma_semaphore, #tpu.memory_space<semaphore_mem>>
      %dma_start3A = tpu.memref_slice %arg2[%mul3A_20] : memref<57344xf32, #tpu.memory_space<hbm>> -> memref<1792xf32, #tpu.memory_space<hbm>>
      %dma_start3A_26 = tpu.memref_slice %arg2[%mul3A_20] : memref<57344xf32, #tpu.memory_space<hbm>> -> memref<1792xf32, #tpu.memory_space<hbm>>
      tpu.enqueue_dma source(%dma_start3A_26 : memref<1792xf32, #tpu.memory_space<hbm>>) target(%arg5 : memref<1792xf32, #tpu.memory_space<vmem>>) target_semaphore(%run_scoped3A : memref<!tpu.dma_semaphore, #tpu.memory_space<semaphore_mem>>)
      %dma_wait3A = tpu.memref_slice %arg2[%mul3A_20] : memref<57344xf32, #tpu.memory_space<hbm>> -> memref<1792xf32, #tpu.memory_space<hbm>>
      %dma_wait3A_27 = tpu.memref_slice %arg2[%mul3A_20] : memref<57344xf32, #tpu.memory_space<hbm>> -> memref<1792xf32, #tpu.memory_space<hbm>>
      tpu.wait_dma2 semaphore(%run_scoped3A : memref<!tpu.dma_semaphore, #tpu.memory_space<semaphore_mem>>) src(%dma_wait3A_27 : memref<1792xf32, #tpu.memory_space<hbm>>) dst(%arg5 : memref<1792xf32, #tpu.memory_space<vmem>>)
      tpu.yield
    }) : () -> ()
    %scan3A = arith.constant 0 : i32
    %scan3A_21 = arith.constant 0 : i32
    %scan3A_22 = arith.constant 64 : i32
    %scan3A_23 = arith.addi %scan3A_21, %scan3A_22 : i32
    %scan3A_24 = arith.constant 1 : i32
    scf.for %scan3A_26 = %scan3A_21 to %scan3A_23 step %scan3A_24  : i32 {
      %jit3A_27 = arith.constant 16 : i32
      %div3A_28 = arith.divsi %scan3A_26, %jit3A_27 : i32
      %sign3A_29 = arith.constant 0 : i32
      %sign3A_30 = arith.cmpi sgt, %scan3A_26, %sign3A_29 : i32
      %sign3A_31 = arith.extui %sign3A_30 : i1 to i32
      %sign3A_32 = arith.constant 0 : i32
      %sign3A_33 = arith.cmpi slt, %scan3A_26, %sign3A_32 : i32
      %sign3A_34 = arith.extui %sign3A_33 : i1 to i32
      %sign3A_35 = arith.subi %sign3A_31, %sign3A_34 : i32
      %sign3A_36 = arith.constant 0 : i32
      %sign3A_37 = arith.cmpi sgt, %jit3A_27, %sign3A_36 : i32
      %sign3A_38 = arith.extui %sign3A_37 : i1 to i32
      %sign3A_39 = arith.constant 0 : i32
      %sign3A_40 = arith.cmpi slt, %jit3A_27, %sign3A_39 : i32
      %sign3A_41 = arith.extui %sign3A_40 : i1 to i32
      %sign3A_42 = arith.subi %sign3A_38, %sign3A_41 : i32
      %ne3A_43 = arith.cmpi ne, %sign3A_35, %sign3A_42 : i32
      %rem3A_44 = arith.remsi %scan3A_26, %jit3A_27 : i32
      %ne3A_45 = arith.constant 0 : i32
      %ne3A_46 = arith.cmpi ne, %rem3A_44, %ne3A_45 : i32
      %and3A_47 = arith.andi %ne3A_43, %ne3A_46 : i1
      %sub3A_48 = arith.constant 1 : i32
      %sub3A_49 = arith.subi %div3A_28, %sub3A_48 : i32
      %select_n3A_50 = arith.select %and3A_47, %sub3A_49, %div3A_28 : i32
      %jit3A_51 = arith.constant 16 : i32
      %eq3A = arith.constant 0 : i32
      %eq3A_52 = arith.cmpi eq, %jit3A_51, %eq3A : i32
      %jit3A_53 = arith.constant 1 : i32
      %select_n3A_54 = arith.select %eq3A_52, %jit3A_53, %jit3A_51 : i32
      %rem3A_55 = arith.remsi %scan3A_26, %select_n3A_54 : i32
      %ne3A_56 = arith.constant 0 : i32
      %ne3A_57 = arith.cmpi ne, %rem3A_55, %ne3A_56 : i32
      %lt3A = arith.constant 0 : i32
      %lt3A_58 = arith.cmpi slt, %rem3A_55, %lt3A : i32
      %lt3A_59 = arith.constant 0 : i32
      %lt3A_60 = arith.cmpi slt, %select_n3A_54, %lt3A_59 : i32
      %ne3A_61 = arith.xori %lt3A_58, %lt3A_60 : i1
      %and3A_62 = arith.andi %ne3A_61, %ne3A_57 : i1
      %add3A_63 = arith.addi %rem3A_55, %select_n3A_54 : i32
      %select_n3A_64 = arith.select %and3A_62, %add3A_63, %rem3A_55 : i32
      %mul3A_65 = arith.constant 3136 : i32
      %mul3A_66 = arith.muli %select_n3A_64, %mul3A_65 : i32
      %mul3A_67 = arith.constant 200704 : i32
      %mul3A_68 = arith.muli %select_n3A, %mul3A_67 : i32
      %mul3A_69 = arith.constant 50176 : i32
      %mul3A_70 = arith.muli %select_n3A_50, %mul3A_69 : i32
      %add3A_71 = arith.addi %mul3A_68, %mul3A_70 : i32
      %add3A_72 = arith.addi %add3A_71, %mul3A_66 : i32
      "tpu.region"() ({
        %run_scoped3A = tpu.sem_alloc : memref<!tpu.dma_semaphore, #tpu.memory_space<semaphore_mem>>
        %dma_start3A = tpu.memref_slice %arg3[%add3A_72] : memref<401408xi32, #tpu.memory_space<hbm>> -> memref<3136xi32, #tpu.memory_space<hbm>>
        %dma_start3A_101 = tpu.memref_slice %arg3[%add3A_72] : memref<401408xi32, #tpu.memory_space<hbm>> -> memref<3136xi32, #tpu.memory_space<hbm>>
        tpu.enqueue_dma source(%dma_start3A_101 : memref<3136xi32, #tpu.memory_space<hbm>>) target(%arg6 : memref<3136xi32, #tpu.memory_space<vmem>>) target_semaphore(%run_scoped3A : memref<!tpu.dma_semaphore, #tpu.memory_space<semaphore_mem>>)
        %dma_wait3A = tpu.memref_slice %arg3[%add3A_72] : memref<401408xi32, #tpu.memory_space<hbm>> -> memref<3136xi32, #tpu.memory_space<hbm>>
        %dma_wait3A_102 = tpu.memref_slice %arg3[%add3A_72] : memref<401408xi32, #tpu.memory_space<hbm>> -> memref<3136xi32, #tpu.memory_space<hbm>>
        tpu.wait_dma2 semaphore(%run_scoped3A : memref<!tpu.dma_semaphore, #tpu.memory_space<semaphore_mem>>) src(%dma_wait3A_102 : memref<3136xi32, #tpu.memory_space<hbm>>) dst(%arg6 : memref<3136xi32, #tpu.memory_space<vmem>>)
        tpu.yield
      }) : () -> ()
      %scan3A_73 = arith.constant 0 : i32
      %scan3A_74 = arith.constant 0 : i32
      %scan3A_75 = arith.constant 196 : i32
      %scan3A_76 = arith.addi %scan3A_74, %scan3A_75 : i32
      %scan3A_77 = arith.constant 1 : i32
      scf.for %scan3A_101 = %scan3A_74 to %scan3A_76 step %scan3A_77  : i32 {
        %mul3A_102 = arith.constant 16 : i32
        %mul3A_103 = arith.muli %scan3A_101, %mul3A_102 : i32
        %multiple_of3A = tpu.assume_multiple %mul3A_103, 16 : i32
        %get3A = arith.index_cast %multiple_of3A : i32 to index
        %get3A_104 = tpu.vector_load %arg6[%get3A] {strides = array<i32>} : memref<3136xi32, #tpu.memory_space<vmem>>, vector<16xi32>,
        %add3A_105 = arith.constant 0 : i32
        %add3A_106 = vector.broadcast %add3A_105 : i32 to vector<16xi32>
        %add3A_107 = arith.addi %get3A_104, %add3A_106 : vector<16xi32>
        %gather3A = tpu.vector_load_idx %arg5[%add3A_107] : memref<1792xf32, #tpu.memory_space<vmem>>[vector<16xi32>], vector<16xf32>,
        %add3A_108 = arith.constant 0 : i32
        %add3A_109 = arith.addi %add3A_108, %multiple_of3A : i32
        %swap3A = arith.index_cast %add3A_109 : i32 to index
        %swap3A_110 = tpu.vector_load %arg7[%swap3A] {strides = array<i32>} : memref<25088xf32, #tpu.memory_space<vmem>>, vector<16xf32>,
        tpu.vector_store %arg7[%swap3A], %gather3A {strides = array<i32>} : memref<25088xf32, #tpu.memory_space<vmem>>, vector<16xf32>,
        %add3A_111 = arith.constant 224 : i32
        %add3A_112 = vector.broadcast %add3A_111 : i32 to vector<16xi32>
        %add3A_113 = arith.addi %get3A_104, %add3A_112 : vector<16xi32>
        %gather3A_114 = tpu.vector_load_idx %arg5[%add3A_113] : memref<1792xf32, #tpu.memory_space<vmem>>[vector<16xi32>], vector<16xf32>,
        %add3A_115 = arith.constant 3136 : i32
        %add3A_116 = arith.addi %add3A_115, %multiple_of3A : i32
        %swap3A_117 = arith.index_cast %add3A_116 : i32 to index
        %swap3A_118 = tpu.vector_load %arg7[%swap3A_117] {strides = array<i32>} : memref<25088xf32, #tpu.memory_space<vmem>>, vector<16xf32>,
        tpu.vector_store %arg7[%swap3A_117], %gather3A_114 {strides = array<i32>} : memref<25088xf32, #tpu.memory_space<vmem>>, vector<16xf32>,
        %add3A_119 = arith.constant 448 : i32
        %add3A_120 = vector.broadcast %add3A_119 : i32 to vector<16xi32>
        %add3A_121 = arith.addi %get3A_104, %add3A_120 : vector<16xi32>
        %gather3A_122 = tpu.vector_load_idx %arg5[%add3A_121] : memref<1792xf32, #tpu.memory_space<vmem>>[vector<16xi32>], vector<16xf32>,
        %add3A_123 = arith.constant 6272 : i32
        %add3A_124 = arith.addi %add3A_123, %multiple_of3A : i32
        %swap3A_125 = arith.index_cast %add3A_124 : i32 to index
        %swap3A_126 = tpu.vector_load %arg7[%swap3A_125] {strides = array<i32>} : memref<25088xf32, #tpu.memory_space<vmem>>, vector<16xf32>,
        tpu.vector_store %arg7[%swap3A_125], %gather3A_122 {strides = array<i32>} : memref<25088xf32, #tpu.memory_space<vmem>>, vector<16xf32>,
        %add3A_127 = arith.constant 672 : i32
        %add3A_128 = vector.broadcast %add3A_127 : i32 to vector<16xi32>
        %add3A_129 = arith.addi %get3A_104, %add3A_128 : vector<16xi32>
        %gather3A_130 = tpu.vector_load_idx %arg5[%add3A_129] : memref<1792xf32, #tpu.memory_space<vmem>>[vector<16xi32>], vector<16xf32>,
        %add3A_131 = arith.constant 9408 : i32
        %add3A_132 = arith.addi %add3A_131, %multiple_of3A : i32
        %swap3A_133 = arith.index_cast %add3A_132 : i32 to index
        %swap3A_134 = tpu.vector_load %arg7[%swap3A_133] {strides = array<i32>} : memref<25088xf32, #tpu.memory_space<vmem>>, vector<16xf32>,
        tpu.vector_store %arg7[%swap3A_133], %gather3A_130 {strides = array<i32>} : memref<25088xf32, #tpu.memory_space<vmem>>, vector<16xf32>,
        %add3A_135 = arith.constant 896 : i32
        %add3A_136 = vector.broadcast %add3A_135 : i32 to vector<16xi32>
        %add3A_137 = arith.addi %get3A_104, %add3A_136 : vector<16xi32>
        %gather3A_138 = tpu.vector_load_idx %arg5[%add3A_137] : memref<1792xf32, #tpu.memory_space<vmem>>[vector<16xi32>], vector<16xf32>,
        %add3A_139 = arith.constant 12544 : i32
        %add3A_140 = arith.addi %add3A_139, %multiple_of3A : i32
        %swap3A_141 = arith.index_cast %add3A_140 : i32 to index
        %swap3A_142 = tpu.vector_load %arg7[%swap3A_141] {strides = array<i32>} : memref<25088xf32, #tpu.memory_space<vmem>>, vector<16xf32>,
        tpu.vector_store %arg7[%swap3A_141], %gather3A_138 {strides = array<i32>} : memref<25088xf32, #tpu.memory_space<vmem>>, vector<16xf32>,
        %add3A_143 = arith.constant 1120 : i32
        %add3A_144 = vector.broadcast %add3A_143 : i32 to vector<16xi32>
        %add3A_145 = arith.addi %get3A_104, %add3A_144 : vector<16xi32>
        %gather3A_146 = tpu.vector_load_idx %arg5[%add3A_145] : memref<1792xf32, #tpu.memory_space<vmem>>[vector<16xi32>], vector<16xf32>,
        %add3A_147 = arith.constant 15680 : i32
        %add3A_148 = arith.addi %add3A_147, %multiple_of3A : i32
        %swap3A_149 = arith.index_cast %add3A_148 : i32 to index
        %swap3A_150 = tpu.vector_load %arg7[%swap3A_149] {strides = array<i32>} : memref<25088xf32, #tpu.memory_space<vmem>>, vector<16xf32>,
        tpu.vector_store %arg7[%swap3A_149], %gather3A_146 {strides = array<i32>} : memref<25088xf32, #tpu.memory_space<vmem>>, vector<16xf32>,
        %add3A_151 = arith.constant 1344 : i32
        %add3A_152 = vector.broadcast %add3A_151 : i32 to vector<16xi32>
        %add3A_153 = arith.addi %get3A_104, %add3A_152 : vector<16xi32>
        %gather3A_154 = tpu.vector_load_idx %arg5[%add3A_153] : memref<1792xf32, #tpu.memory_space<vmem>>[vector<16xi32>], vector<16xf32>,
        %add3A_155 = arith.constant 18816 : i32
        %add3A_156 = arith.addi %add3A_155, %multiple_of3A : i32
        %swap3A_157 = arith.index_cast %add3A_156 : i32 to index
        %swap3A_158 = tpu.vector_load %arg7[%swap3A_157] {strides = array<i32>} : memref<25088xf32, #tpu.memory_space<vmem>>, vector<16xf32>,
        tpu.vector_store %arg7[%swap3A_157], %gather3A_154 {strides = array<i32>} : memref<25088xf32, #tpu.memory_space<vmem>>, vector<16xf32>,
        %add3A_159 = arith.constant 1568 : i32
        %add3A_160 = vector.broadcast %add3A_159 : i32 to vector<16xi32>
        %add3A_161 = arith.addi %get3A_104, %add3A_160 : vector<16xi32>
        %gather3A_162 = tpu.vector_load_idx %arg5[%add3A_161] : memref<1792xf32, #tpu.memory_space<vmem>>[vector<16xi32>], vector<16xf32>,
        %add3A_163 = arith.constant 21952 : i32
        %add3A_164 = arith.addi %add3A_163, %multiple_of3A : i32
        %swap3A_165 = arith.index_cast %add3A_164 : i32 to index
        %swap3A_166 = tpu.vector_load %arg7[%swap3A_165] {strides = array<i32>} : memref<25088xf32, #tpu.memory_space<vmem>>, vector<16xf32>,
        tpu.vector_store %arg7[%swap3A_165], %gather3A_162 {strides = array<i32>} : memref<25088xf32, #tpu.memory_space<vmem>>, vector<16xf32>,
      }
      %scan3A_78 = arith.constant 196 : i32
      %mul3A_79 = arith.constant 256 : i32
      %mul3A_80 = arith.muli %select_n3A_50, %mul3A_79 : i32
      %add3A_81 = arith.addi %mul3A_80, %mul3A_2 : i32
      %mul3A_82 = arith.constant 50176 : i32
      %mul3A_83 = arith.muli %add3A_81, %mul3A_82 : i32
      %add3A_84 = arith.addi %mul3A_83, %mul3A_66 : i32
      %add3A_85 = arith.constant 0 : i32
      %add3A_86 = arith.addi %add3A_84, %add3A_85 : i32
      "tpu.region"() ({
        %run_scoped3A = tpu.sem_alloc : memref<!tpu.dma_semaphore, #tpu.memory_space<semaphore_mem>>
        %dma_start3A = arith.constant 0 : i32
        %dma_start3A_101 = tpu.memref_slice %arg7[%dma_start3A] : memref<25088xf32, #tpu.memory_space<vmem>> -> memref<3136xf32, #tpu.memory_space<vmem>>
        %dma_start3A_102 = tpu.memref_slice %arg4[%add3A_86] : memref<51380224xf32, #tpu.memory_space<hbm>> -> memref<3136xf32, #tpu.memory_space<hbm>>
        %dma_start3A_103 = tpu.memref_slice %arg4[%add3A_86] : memref<51380224xf32, #tpu.memory_space<hbm>> -> memref<3136xf32, #tpu.memory_space<hbm>>
        %dma_start3A_104 = arith.constant 0 : i32
        %dma_start3A_105 = tpu.memref_slice %arg7[%dma_start3A_104] : memref<25088xf32, #tpu.memory_space<vmem>> -> memref<3136xf32, #tpu.memory_space<vmem>>
        tpu.enqueue_dma source(%dma_start3A_105 : memref<3136xf32, #tpu.memory_space<vmem>>) target(%dma_start3A_103 : memref<3136xf32, #tpu.memory_space<hbm>>) target_semaphore(%run_scoped3A : memref<!tpu.dma_semaphore, #tpu.memory_space<semaphore_mem>>)
        %dma_wait3A = arith.constant 0 : i32
        %dma_wait3A_106 = tpu.memref_slice %arg7[%dma_wait3A] : memref<25088xf32, #tpu.memory_space<vmem>> -> memref<3136xf32, #tpu.memory_space<vmem>>
        %dma_wait3A_107 = tpu.memref_slice %arg4[%add3A_86] : memref<51380224xf32, #tpu.memory_space<hbm>> -> memref<3136xf32, #tpu.memory_space<hbm>>
        %dma_wait3A_108 = tpu.memref_slice %arg4[%add3A_86] : memref<51380224xf32, #tpu.memory_space<hbm>> -> memref<3136xf32, #tpu.memory_space<hbm>>
        %dma_wait3A_109 = arith.constant 0 : i32
        %dma_wait3A_110 = tpu.memref_slice %arg7[%dma_wait3A_109] : memref<25088xf32, #tpu.memory_space<vmem>> -> memref<3136xf32, #tpu.memory_space<vmem>>
        tpu.wait_dma2 semaphore(%run_scoped3A : memref<!tpu.dma_semaphore, #tpu.memory_space<semaphore_mem>>) src(%dma_wait3A_110 : memref<3136xf32, #tpu.memory_space<vmem>>) dst(%dma_wait3A_108 : memref<3136xf32, #tpu.memory_space<hbm>>)
        tpu.yield
      }) : () -> ()
      %add3A_87 = arith.constant 50176 : i32
      %add3A_88 = arith.addi %add3A_84, %add3A_87 : i32
      "tpu.region"() ({
        %run_scoped3A = tpu.sem_alloc : memref<!tpu.dma_semaphore, #tpu.memory_space<semaphore_mem>>
        %dma_start3A = arith.constant 3136 : i32
        %dma_start3A_101 = tpu.memref_slice %arg7[%dma_start3A] : memref<25088xf32, #tpu.memory_space<vmem>> -> memref<3136xf32, #tpu.memory_space<vmem>>
        %dma_start3A_102 = tpu.memref_slice %arg4[%add3A_88] : memref<51380224xf32, #tpu.memory_space<hbm>> -> memref<3136xf32, #tpu.memory_space<hbm>>
        %dma_start3A_103 = tpu.memref_slice %arg4[%add3A_88] : memref<51380224xf32, #tpu.memory_space<hbm>> -> memref<3136xf32, #tpu.memory_space<hbm>>
        %dma_start3A_104 = arith.constant 3136 : i32
        %dma_start3A_105 = tpu.memref_slice %arg7[%dma_start3A_104] : memref<25088xf32, #tpu.memory_space<vmem>> -> memref<3136xf32, #tpu.memory_space<vmem>>
        tpu.enqueue_dma source(%dma_start3A_105 : memref<3136xf32, #tpu.memory_space<vmem>>) target(%dma_start3A_103 : memref<3136xf32, #tpu.memory_space<hbm>>) target_semaphore(%run_scoped3A : memref<!tpu.dma_semaphore, #tpu.memory_space<semaphore_mem>>)
        %dma_wait3A = arith.constant 3136 : i32
        %dma_wait3A_106 = tpu.memref_slice %arg7[%dma_wait3A] : memref<25088xf32, #tpu.memory_space<vmem>> -> memref<3136xf32, #tpu.memory_space<vmem>>
        %dma_wait3A_107 = tpu.memref_slice %arg4[%add3A_88] : memref<51380224xf32, #tpu.memory_space<hbm>> -> memref<3136xf32, #tpu.memory_space<hbm>>
        %dma_wait3A_108 = tpu.memref_slice %arg4[%add3A_88] : memref<51380224xf32, #tpu.memory_space<hbm>> -> memref<3136xf32, #tpu.memory_space<hbm>>
        %dma_wait3A_109 = arith.constant 3136 : i32
        %dma_wait3A_110 = tpu.memref_slice %arg7[%dma_wait3A_109] : memref<25088xf32, #tpu.memory_space<vmem>> -> memref<3136xf32, #tpu.memory_space<vmem>>
        tpu.wait_dma2 semaphore(%run_scoped3A : memref<!tpu.dma_semaphore, #tpu.memory_space<semaphore_mem>>) src(%dma_wait3A_110 : memref<3136xf32, #tpu.memory_space<vmem>>) dst(%dma_wait3A_108 : memref<3136xf32, #tpu.memory_space<hbm>>)
        tpu.yield
      }) : () -> ()
      %add3A_89 = arith.constant 100352 : i32
      %add3A_90 = arith.addi %add3A_84, %add3A_89 : i32
      "tpu.region"() ({
        %run_scoped3A = tpu.sem_alloc : memref<!tpu.dma_semaphore, #tpu.memory_space<semaphore_mem>>
        %dma_start3A = arith.constant 6272 : i32
        %dma_start3A_101 = tpu.memref_slice %arg7[%dma_start3A] : memref<25088xf32, #tpu.memory_space<vmem>> -> memref<3136xf32, #tpu.memory_space<vmem>>
        %dma_start3A_102 = tpu.memref_slice %arg4[%add3A_90] : memref<51380224xf32, #tpu.memory_space<hbm>> -> memref<3136xf32, #tpu.memory_space<hbm>>
        %dma_start3A_103 = tpu.memref_slice %arg4[%add3A_90] : memref<51380224xf32, #tpu.memory_space<hbm>> -> memref<3136xf32, #tpu.memory_space<hbm>>
        %dma_start3A_104 = arith.constant 6272 : i32
        %dma_start3A_105 = tpu.memref_slice %arg7[%dma_start3A_104] : memref<25088xf32, #tpu.memory_space<vmem>> -> memref<3136xf32, #tpu.memory_space<vmem>>
        tpu.enqueue_dma source(%dma_start3A_105 : memref<3136xf32, #tpu.memory_space<vmem>>) target(%dma_start3A_103 : memref<3136xf32, #tpu.memory_space<hbm>>) target_semaphore(%run_scoped3A : memref<!tpu.dma_semaphore, #tpu.memory_space<semaphore_mem>>)
        %dma_wait3A = arith.constant 6272 : i32
        %dma_wait3A_106 = tpu.memref_slice %arg7[%dma_wait3A] : memref<25088xf32, #tpu.memory_space<vmem>> -> memref<3136xf32, #tpu.memory_space<vmem>>
        %dma_wait3A_107 = tpu.memref_slice %arg4[%add3A_90] : memref<51380224xf32, #tpu.memory_space<hbm>> -> memref<3136xf32, #tpu.memory_space<hbm>>
        %dma_wait3A_108 = tpu.memref_slice %arg4[%add3A_90] : memref<51380224xf32, #tpu.memory_space<hbm>> -> memref<3136xf32, #tpu.memory_space<hbm>>
        %dma_wait3A_109 = arith.constant 6272 : i32
        %dma_wait3A_110 = tpu.memref_slice %arg7[%dma_wait3A_109] : memref<25088xf32, #tpu.memory_space<vmem>> -> memref<3136xf32, #tpu.memory_space<vmem>>
        tpu.wait_dma2 semaphore(%run_scoped3A : memref<!tpu.dma_semaphore, #tpu.memory_space<semaphore_mem>>) src(%dma_wait3A_110 : memref<3136xf32, #tpu.memory_space<vmem>>) dst(%dma_wait3A_108 : memref<3136xf32, #tpu.memory_space<hbm>>)
        tpu.yield
      }) : () -> ()
      %add3A_91 = arith.constant 150528 : i32
      %add3A_92 = arith.addi %add3A_84, %add3A_91 : i32
      "tpu.region"() ({
        %run_scoped3A = tpu.sem_alloc : memref<!tpu.dma_semaphore, #tpu.memory_space<semaphore_mem>>
        %dma_start3A = arith.constant 9408 : i32
        %dma_start3A_101 = tpu.memref_slice %arg7[%dma_start3A] : memref<25088xf32, #tpu.memory_space<vmem>> -> memref<3136xf32, #tpu.memory_space<vmem>>
        %dma_start3A_102 = tpu.memref_slice %arg4[%add3A_92] : memref<51380224xf32, #tpu.memory_space<hbm>> -> memref<3136xf32, #tpu.memory_space<hbm>>
        %dma_start3A_103 = tpu.memref_slice %arg4[%add3A_92] : memref<51380224xf32, #tpu.memory_space<hbm>> -> memref<3136xf32, #tpu.memory_space<hbm>>
        %dma_start3A_104 = arith.constant 9408 : i32
        %dma_start3A_105 = tpu.memref_slice %arg7[%dma_start3A_104] : memref<25088xf32, #tpu.memory_space<vmem>> -> memref<3136xf32, #tpu.memory_space<vmem>>
        tpu.enqueue_dma source(%dma_start3A_105 : memref<3136xf32, #tpu.memory_space<vmem>>) target(%dma_start3A_103 : memref<3136xf32, #tpu.memory_space<hbm>>) target_semaphore(%run_scoped3A : memref<!tpu.dma_semaphore, #tpu.memory_space<semaphore_mem>>)
        %dma_wait3A = arith.constant 9408 : i32
        %dma_wait3A_106 = tpu.memref_slice %arg7[%dma_wait3A] : memref<25088xf32, #tpu.memory_space<vmem>> -> memref<3136xf32, #tpu.memory_space<vmem>>
        %dma_wait3A_107 = tpu.memref_slice %arg4[%add3A_92] : memref<51380224xf32, #tpu.memory_space<hbm>> -> memref<3136xf32, #tpu.memory_space<hbm>>
        %dma_wait3A_108 = tpu.memref_slice %arg4[%add3A_92] : memref<51380224xf32, #tpu.memory_space<hbm>> -> memref<3136xf32, #tpu.memory_space<hbm>>
        %dma_wait3A_109 = arith.constant 9408 : i32
        %dma_wait3A_110 = tpu.memref_slice %arg7[%dma_wait3A_109] : memref<25088xf32, #tpu.memory_space<vmem>> -> memref<3136xf32, #tpu.memory_space<vmem>>
        tpu.wait_dma2 semaphore(%run_scoped3A : memref<!tpu.dma_semaphore, #tpu.memory_space<semaphore_mem>>) src(%dma_wait3A_110 : memref<3136xf32, #tpu.memory_space<vmem>>) dst(%dma_wait3A_108 : memref<3136xf32, #tpu.memory_space<hbm>>)
        tpu.yield
      }) : () -> ()
      %add3A_93 = arith.constant 200704 : i32
      %add3A_94 = arith.addi %add3A_84, %add3A_93 : i32
      "tpu.region"() ({
        %run_scoped3A = tpu.sem_alloc : memref<!tpu.dma_semaphore, #tpu.memory_space<semaphore_mem>>
        %dma_start3A = arith.constant 12544 : i32
        %dma_start3A_101 = tpu.memref_slice %arg7[%dma_start3A] : memref<25088xf32, #tpu.memory_space<vmem>> -> memref<3136xf32, #tpu.memory_space<vmem>>
        %dma_start3A_102 = tpu.memref_slice %arg4[%add3A_94] : memref<51380224xf32, #tpu.memory_space<hbm>> -> memref<3136xf32, #tpu.memory_space<hbm>>
        %dma_start3A_103 = tpu.memref_slice %arg4[%add3A_94] : memref<51380224xf32, #tpu.memory_space<hbm>> -> memref<3136xf32, #tpu.memory_space<hbm>>
        %dma_start3A_104 = arith.constant 12544 : i32
        %dma_start3A_105 = tpu.memref_slice %arg7[%dma_start3A_104] : memref<25088xf32, #tpu.memory_space<vmem>> -> memref<3136xf32, #tpu.memory_space<vmem>>
        tpu.enqueue_dma source(%dma_start3A_105 : memref<3136xf32, #tpu.memory_space<vmem>>) target(%dma_start3A_103 : memref<3136xf32, #tpu.memory_space<hbm>>) target_semaphore(%run_scoped3A : memref<!tpu.dma_semaphore, #tpu.memory_space<semaphore_mem>>)
        %dma_wait3A = arith.constant 12544 : i32
        %dma_wait3A_106 = tpu.memref_slice %arg7[%dma_wait3A] : memref<25088xf32, #tpu.memory_space<vmem>> -> memref<3136xf32, #tpu.memory_space<vmem>>
        %dma_wait3A_107 = tpu.memref_slice %arg4[%add3A_94] : memref<51380224xf32, #tpu.memory_space<hbm>> -> memref<3136xf32, #tpu.memory_space<hbm>>
        %dma_wait3A_108 = tpu.memref_slice %arg4[%add3A_94] : memref<51380224xf32, #tpu.memory_space<hbm>> -> memref<3136xf32, #tpu.memory_space<hbm>>
        %dma_wait3A_109 = arith.constant 12544 : i32
        %dma_wait3A_110 = tpu.memref_slice %arg7[%dma_wait3A_109] : memref<25088xf32, #tpu.memory_space<vmem>> -> memref<3136xf32, #tpu.memory_space<vmem>>
        tpu.wait_dma2 semaphore(%run_scoped3A : memref<!tpu.dma_semaphore, #tpu.memory_space<semaphore_mem>>) src(%dma_wait3A_110 : memref<3136xf32, #tpu.memory_space<vmem>>) dst(%dma_wait3A_108 : memref<3136xf32, #tpu.memory_space<hbm>>)
        tpu.yield
      }) : () -> ()
      %add3A_95 = arith.constant 250880 : i32
      %add3A_96 = arith.addi %add3A_84, %add3A_95 : i32
      "tpu.region"() ({
        %run_scoped3A = tpu.sem_alloc : memref<!tpu.dma_semaphore, #tpu.memory_space<semaphore_mem>>
        %dma_start3A = arith.constant 15680 : i32
        %dma_start3A_101 = tpu.memref_slice %arg7[%dma_start3A] : memref<25088xf32, #tpu.memory_space<vmem>> -> memref<3136xf32, #tpu.memory_space<vmem>>
        %dma_start3A_102 = tpu.memref_slice %arg4[%add3A_96] : memref<51380224xf32, #tpu.memory_space<hbm>> -> memref<3136xf32, #tpu.memory_space<hbm>>
        %dma_start3A_103 = tpu.memref_slice %arg4[%add3A_96] : memref<51380224xf32, #tpu.memory_space<hbm>> -> memref<3136xf32, #tpu.memory_space<hbm>>
        %dma_start3A_104 = arith.constant 15680 : i32
        %dma_start3A_105 = tpu.memref_slice %arg7[%dma_start3A_104] : memref<25088xf32, #tpu.memory_space<vmem>> -> memref<3136xf32, #tpu.memory_space<vmem>>
        tpu.enqueue_dma source(%dma_start3A_105 : memref<3136xf32, #tpu.memory_space<vmem>>) target(%dma_start3A_103 : memref<3136xf32, #tpu.memory_space<hbm>>) target_semaphore(%run_scoped3A : memref<!tpu.dma_semaphore, #tpu.memory_space<semaphore_mem>>)
        %dma_wait3A = arith.constant 15680 : i32
        %dma_wait3A_106 = tpu.memref_slice %arg7[%dma_wait3A] : memref<25088xf32, #tpu.memory_space<vmem>> -> memref<3136xf32, #tpu.memory_space<vmem>>
        %dma_wait3A_107 = tpu.memref_slice %arg4[%add3A_96] : memref<51380224xf32, #tpu.memory_space<hbm>> -> memref<3136xf32, #tpu.memory_space<hbm>>
        %dma_wait3A_108 = tpu.memref_slice %arg4[%add3A_96] : memref<51380224xf32, #tpu.memory_space<hbm>> -> memref<3136xf32, #tpu.memory_space<hbm>>
        %dma_wait3A_109 = arith.constant 15680 : i32
        %dma_wait3A_110 = tpu.memref_slice %arg7[%dma_wait3A_109] : memref<25088xf32, #tpu.memory_space<vmem>> -> memref<3136xf32, #tpu.memory_space<vmem>>
        tpu.wait_dma2 semaphore(%run_scoped3A : memref<!tpu.dma_semaphore, #tpu.memory_space<semaphore_mem>>) src(%dma_wait3A_110 : memref<3136xf32, #tpu.memory_space<vmem>>) dst(%dma_wait3A_108 : memref<3136xf32, #tpu.memory_space<hbm>>)
        tpu.yield
      }) : () -> ()
      %add3A_97 = arith.constant 301056 : i32
      %add3A_98 = arith.addi %add3A_84, %add3A_97 : i32
      "tpu.region"() ({
        %run_scoped3A = tpu.sem_alloc : memref<!tpu.dma_semaphore, #tpu.memory_space<semaphore_mem>>
        %dma_start3A = arith.constant 18816 : i32
        %dma_start3A_101 = tpu.memref_slice %arg7[%dma_start3A] : memref<25088xf32, #tpu.memory_space<vmem>> -> memref<3136xf32, #tpu.memory_space<vmem>>
        %dma_start3A_102 = tpu.memref_slice %arg4[%add3A_98] : memref<51380224xf32, #tpu.memory_space<hbm>> -> memref<3136xf32, #tpu.memory_space<hbm>>
        %dma_start3A_103 = tpu.memref_slice %arg4[%add3A_98] : memref<51380224xf32, #tpu.memory_space<hbm>> -> memref<3136xf32, #tpu.memory_space<hbm>>
        %dma_start3A_104 = arith.constant 18816 : i32
        %dma_start3A_105 = tpu.memref_slice %arg7[%dma_start3A_104] : memref<25088xf32, #tpu.memory_space<vmem>> -> memref<3136xf32, #tpu.memory_space<vmem>>
        tpu.enqueue_dma source(%dma_start3A_105 : memref<3136xf32, #tpu.memory_space<vmem>>) target(%dma_start3A_103 : memref<3136xf32, #tpu.memory_space<hbm>>) target_semaphore(%run_scoped3A : memref<!tpu.dma_semaphore, #tpu.memory_space<semaphore_mem>>)
        %dma_wait3A = arith.constant 18816 : i32
        %dma_wait3A_106 = tpu.memref_slice %arg7[%dma_wait3A] : memref<25088xf32, #tpu.memory_space<vmem>> -> memref<3136xf32, #tpu.memory_space<vmem>>
        %dma_wait3A_107 = tpu.memref_slice %arg4[%add3A_98] : memref<51380224xf32, #tpu.memory_space<hbm>> -> memref<3136xf32, #tpu.memory_space<hbm>>
        %dma_wait3A_108 = tpu.memref_slice %arg4[%add3A_98] : memref<51380224xf32, #tpu.memory_space<hbm>> -> memref<3136xf32, #tpu.memory_space<hbm>>
        %dma_wait3A_109 = arith.constant 18816 : i32
        %dma_wait3A_110 = tpu.memref_slice %arg7[%dma_wait3A_109] : memref<25088xf32, #tpu.memory_space<vmem>> -> memref<3136xf32, #tpu.memory_space<vmem>>
        tpu.wait_dma2 semaphore(%run_scoped3A : memref<!tpu.dma_semaphore, #tpu.memory_space<semaphore_mem>>) src(%dma_wait3A_110 : memref<3136xf32, #tpu.memory_space<vmem>>) dst(%dma_wait3A_108 : memref<3136xf32, #tpu.memory_space<hbm>>)
        tpu.yield
      }) : () -> ()
      %add3A_99 = arith.constant 351232 : i32
      %add3A_100 = arith.addi %add3A_84, %add3A_99 : i32
      "tpu.region"() ({
        %run_scoped3A = tpu.sem_alloc : memref<!tpu.dma_semaphore, #tpu.memory_space<semaphore_mem>>
        %dma_start3A = arith.constant 21952 : i32
        %dma_start3A_101 = tpu.memref_slice %arg7[%dma_start3A] : memref<25088xf32, #tpu.memory_space<vmem>> -> memref<3136xf32, #tpu.memory_space<vmem>>
        %dma_start3A_102 = tpu.memref_slice %arg4[%add3A_100] : memref<51380224xf32, #tpu.memory_space<hbm>> -> memref<3136xf32, #tpu.memory_space<hbm>>
        %dma_start3A_103 = tpu.memref_slice %arg4[%add3A_100] : memref<51380224xf32, #tpu.memory_space<hbm>> -> memref<3136xf32, #tpu.memory_space<hbm>>
        %dma_start3A_104 = arith.constant 21952 : i32
        %dma_start3A_105 = tpu.memref_slice %arg7[%dma_start3A_104] : memref<25088xf32, #tpu.memory_space<vmem>> -> memref<3136xf32, #tpu.memory_space<vmem>>
        tpu.enqueue_dma source(%dma_start3A_105 : memref<3136xf32, #tpu.memory_space<vmem>>) target(%dma_start3A_103 : memref<3136xf32, #tpu.memory_space<hbm>>) target_semaphore(%run_scoped3A : memref<!tpu.dma_semaphore, #tpu.memory_space<semaphore_mem>>)
        %dma_wait3A = arith.constant 21952 : i32
        %dma_wait3A_106 = tpu.memref_slice %arg7[%dma_wait3A] : memref<25088xf32, #tpu.memory_space<vmem>> -> memref<3136xf32, #tpu.memory_space<vmem>>
        %dma_wait3A_107 = tpu.memref_slice %arg4[%add3A_100] : memref<51380224xf32, #tpu.memory_space<hbm>> -> memref<3136xf32, #tpu.memory_space<hbm>>
        %dma_wait3A_108 = tpu.memref_slice %arg4[%add3A_100] : memref<51380224xf32, #tpu.memory_space<hbm>> -> memref<3136xf32, #tpu.memory_space<hbm>>
        %dma_wait3A_109 = arith.constant 21952 : i32
        %dma_wait3A_110 = tpu.memref_slice %arg7[%dma_wait3A_109] : memref<25088xf32, #tpu.memory_space<vmem>> -> memref<3136xf32, #tpu.memory_space<vmem>>
        tpu.wait_dma2 semaphore(%run_scoped3A : memref<!tpu.dma_semaphore, #tpu.memory_space<semaphore_mem>>) src(%dma_wait3A_110 : memref<3136xf32, #tpu.memory_space<vmem>>) dst(%dma_wait3A_108 : memref<3136xf32, #tpu.memory_space<hbm>>)
        tpu.yield
      }) : () -> ()
    }
    %scan3A_25 = arith.constant 64 : i32
    return
  }
}

</mosaic_0001>

<sc_bundles>
// kernel: kernel.3.cloned.1.call-start
scs
__scs_entry_jumppad:
0x0: {  	(pc) =	sbr.rel $0x88, $3  }
0x1: {  	(tag) =	ssettag $0x0;
	lr =	simm.s32 $0x1  }
0x2: {  	[smem:$0x3F9D] =	sst lr;
	_ =	strace $0xD0000000  }
0x3: {  	_ = 	snop  }
0x4: {  	_ = 	snop  }
0x5: {  	_ = 	snop  }
0x6: {  	_ = 	snop  }
0x7: {  	_ = 	snop  }
__scs_overlays_trampoline_lowered:
0x8: {  	[smem:$0x3FAC] =	sst s0  }
0x9: {  	[smem:$0x3FAD] =	sst s1  }
0xa: {  	[smem:$0x3FAE] =	sst s2  }
0xb: {  	[smem:$0x3FAF] =	sst s3  }
0xc: {  	[smem:$0x3FB0] =	sst s4  }
0xd: {  	[smem:$0x3FB1] =	sst s5  }
0xe: {  	[smem:$0x3FB2] =	sst s6  }
0xf: {  	[smem:$0x3FB3] =	sst s7  }
0x10: {  	[smem:$0x3FB4] =	sst s8  }
0x11: {  	[smem:$0x3FB5] =	sst s9;
	s0 =	simm.s32 @!p0 $0x0  }
0x12: {  	s1 =	sld [smem:$0x3F9B];
	s0 =	simm.s32 @p0 $0x1  }
0x13: {  	[smem:$0x3FB6] =	sst s0;
	s0 =	simm.s32 @!p1 $0x0  }
0x14: {  	s2 =	sld [smem:$0x3F9A];
	s0 =	simm.s32 @p1 $0x1  }
0x15: {  	[smem:$0x3FB7] =	sst s0;
	s0 =	simm.s32 @!p2 $0x0  }
0x16: {  	s3 =	sld [smem:$0x3FDB];
	s0 =	simm.s32 @p2 $0x1  }
0x17: {  	s4 =	simm.s32 $0x1BF5;
	[smem:$0x3FB9] =	sst s0  }
0x18: {  	s0 =	sld [smem:$0x3F9C];
	_ =	swait.ge [sflag:s4], $0x0  }
0x19: {  	s7 =	sld [smem:$0x3F9D]  }
0x1a: {  	s8 =	sadd.s32 $0xFFFFE003, lr  }
0x1b: {  	s9 =	sadd.s32 $0xFFFFFEF7, lr;
	s5 =	simm.s32 $0xFFFFFFFF;
	p2 =	slt.u32 s8, $0xFFFFF086  }
0x1c: {  	p1 =	slt.u32 s9, $0xF7A;
	s5 =	simm.s32 @!p2 $0x0  }
0x1d: {  	s5 =	simm.s32 @p1 $0x1;
	p0 =	seq.s32 s7, s2  }
0x1e: {  	s7 =	smul.u32 @!p0 $0xF7A, s2;
	p2 =	seq.s32 @!p0 s5, $0x0  }
0x1f: {  	s9 =	smul.u32 $0xF7A, s1;
	s8 =	simm.s32 @!p0 $0x1BF5;
	p2 =	por !p2, p0  }
0x20: {  	[sflag:s8] =	ssyncset.s32 @!p0 $0xFFFFF086;
	s6 =	sadd.s32 @!p0 s3, s7;
	s7 =	simm.s32 @!p0 $0x108  }
0x21: {  	s3 =	sadd.s32 s3, s9;
	s6 =	sadd.s32 @!p0 $0x88, s6;
	s7 =	simm.s32 @p2 $0x1082  }
0x22: {  	[simem:s7], [sflag:s8] =	dma.local @!p0 [hbm:s6], $0xF7A  }
0x23: {  	s9 =	sor.u32 $0xD0000000, s2;
	s6 =	simm.s32 $0x108;
	_ =	swait.ge @!p0 [sflag:s8], $0x0  }
0x24: {  	s3 =	sadd.s32 $0x88, s3;
	s6 =	simm.s32 @!p1 $0x1082;
	[sflag:s4] =	ssyncset.s32 $0xFFFFF086  }
0x25: {  	[simem:s6], [sflag:s4] =	dma.local [hbm:s3], $0xF7A  }
0x26: {  	[smem:$0x3F9D] =	sst s1;
	(tag) =	ssettag s2;
	_ =	strace s9  }
0x27: {  	s1 =	sld [smem:$0x3FAD]  }
0x28: {  	s2 =	sld [smem:$0x3FAE]  }
0x29: {  	s4 =	sld [smem:$0x3FB0]  }
0x2a: {  	p0 =	seq.s32 s5, $0x0;
	s5 =	sld [smem:$0x3FB1]  }
0x2b: {  	s6 =	sld [smem:$0x3FB2]  }
0x2c: {  	s7 =	sld [smem:$0x3FB3]  }
0x2d: {  	s3 =	simm.s32 $0x108;
	s8 =	sld [smem:$0x3FB4]  }
0x2e: {  	s3 =	simm.s32 @!p0 $0x1082;
	s9 =	sld [smem:$0x3FB5]  }
0x2f: {  	lr =	sadd.s32 s0, s3;
	s0 =	sld [smem:$0x3FAC]  }
0x30: {  	s3 =	sld [smem:$0x3FAF]  }
0x31: {  	[smem:$0x3FB8] =	sst s10  }
0x32: {  	s10 =	sld [smem:$0x3FB6];
	_ =	sdelay $0x3  }
0x33: {  	p0 =	seq.s32 s10, $0x1;
	s10 =	sld [smem:$0x3FB8];
	_ =	sdelay $0x3  }
0x34: {  	[smem:$0x3FB8] =	sst s10  }
0x35: {  	s10 =	sld [smem:$0x3FB7];
	_ =	sdelay $0x3  }
0x36: {  	p1 =	seq.s32 s10, $0x1;
	s10 =	sld [smem:$0x3FB8];
	_ =	sdelay $0x3  }
0x37: {  	[smem:$0x3FB8] =	sst s10  }
0x38: {  	s10 =	sld [smem:$0x3FB9]  }
0x39: {  	_ = 	snop;
	(pc) =	sbr.ind lr, $3  }
0x3a: {  	_ = 	snop  }
0x3b: {  	_ = 	snop  }
0x3c: {  	p2 =	seq.s32 s10, $0x1;
	s10 =	sld [smem:$0x3FB8]  }
0x3d: {  	_ =	shalt  }
0x3e: {  	_ =	shalt  }
0x3f: {  	_ =	shalt  }
0x40: {  	_ =	shalt  }
0x41: {  	_ =	shalt  }
0x42: {  	_ =	shalt  }
0x43: {  	_ =	shalt  }
0x44: {  	_ =	shalt  }
0x45: {  	_ =	shalt  }
0x46: {  	_ =	shalt  }
0x47: {  	_ =	shalt  }
0x48: {  	_ =	shalt  }
0x49: {  	_ =	shalt  }
0x4a: {  	_ =	shalt  }
0x4b: {  	_ =	shalt  }
0x4c: {  	_ =	shalt  }
0x4d: {  	_ =	shalt  }
0x4e: {  	_ =	shalt  }
0x4f: {  	_ =	shalt  }
0x50: {  	_ =	shalt  }
0x51: {  	_ =	shalt  }
0x52: {  	_ =	shalt  }
0x53: {  	_ =	shalt  }
0x54: {  	_ =	shalt  }
0x55: {  	_ =	shalt  }
0x56: {  	_ =	shalt  }
0x57: {  	_ =	shalt  }
0x58: {  	_ =	shalt  }
0x59: {  	_ =	shalt  }
0x5a: {  	_ =	shalt  }
0x5b: {  	_ =	shalt  }
0x5c: {  	_ =	shalt  }
0x5d: {  	_ =	shalt  }
0x5e: {  	_ =	shalt  }
0x5f: {  	_ =	shalt  }
0x60: {  	_ =	shalt  }
0x61: {  	_ =	shalt  }
0x62: {  	_ =	shalt  }
0x63: {  	_ =	shalt  }
0x64: {  	_ =	shalt  }
0x65: {  	_ =	shalt  }
0x66: {  	_ =	shalt  }
0x67: {  	_ =	shalt  }
0x68: {  	_ =	shalt  }
0x69: {  	_ =	shalt  }
0x6a: {  	_ =	shalt  }
0x6b: {  	_ =	shalt  }
0x6c: {  	_ =	shalt  }
0x6d: {  	_ =	shalt  }
0x6e: {  	_ =	shalt  }
0x6f: {  	_ =	shalt  }
0x70: {  	_ =	shalt  }
0x71: {  	_ =	shalt  }
0x72: {  	_ =	shalt  }
0x73: {  	_ =	shalt  }
0x74: {  	_ =	shalt  }
0x75: {  	_ =	shalt  }
0x76: {  	_ =	shalt  }
0x77: {  	_ =	shalt  }
0x78: {  	_ =	shalt  }
0x79: {  	_ =	shalt  }
0x7a: {  	_ =	shalt  }
0x7b: {  	_ =	shalt  }
0x7c: {  	_ =	shalt  }
0x7d: {  	_ =	shalt  }
0x7e: {  	_ =	shalt  }
0x7f: {  	_ =	shalt  }
0x80: {  	_ =	shalt  }
0x81: {  	_ =	shalt  }
0x82: {  	_ =	shalt  }
0x83: {  	_ =	shalt  }
0x84: {  	_ =	shalt  }
0x85: {  	_ =	shalt  }
0x86: {  	_ =	shalt  }
0x87: {  	_ =	shalt  }
.Lfunc_end0:
.L_simem_size_0:
called_computation.1_lowered:
.L_overlay_start_0:
0x88: {  	s2 =	sld [smem:$0x3FD9]  }
0x89: {  	s3 =	sld [smem:$0x3FFE];
	_ =	sdelay $0x1  }
0x8a: {  	s1 =	srdreg.scid  }
0x8b: {  	s0 =	sand.u32 $0x1, s1  }
0x8c: {  	s17 =	sshll.u32 s0, $0xA;
	s2 =	sadd.s32 s3, s2  }
0x8d: {  	s2 =	sadd.s32 s2, s17  }
0x8e: {  	[smem:$0x3FC4] =	sst s2  }
0x8f: {  	_ = 	snop  }
0x90: {  	s2 =	sld [smem:$0x3FD0];
	(tm) =	ssettm $0x1  }
0x91: {  	s18 =	sld [smem:$0x3FFB];
	_ =	sdelay $0x3  }
0x92: {  	_ =	strace s18  }
0x93: {  	s3 =	sld [smem:$0x3FFC];
	_ =	sdelay $0x3  }
0x94: {  	_ =	strace s3  }
0x95: {  	s3 =	sld [smem:$0x3FFD];
	_ =	sdelay $0x3  }
0x96: {  	_ =	strace s3  }
0x97: {  	_ =	strace $0x8FFFFFFF  }
0x98: {  	s19 =	sld [smem:$0x3FDB];
	_ =	sdelay $0x1  }
0x99: {  	s4 =	simm.s32 $_scs_section_size  }
0x9a: {  	s5 =	simm.s32 $_size__tile_overlayer_lowered;
	s6 =	simm.s32 $_tile_overlayer_lowered  }
0x9b: {  	s22 =	simm.s32 $0x1BFF;
	s21 =	sshll.u32 s6, $0x1;
	s3 =	sadd.s32 s4, s19  }
0x9c: {  	s7 =	simm.s32 $0x0;
	s20 =	sshll.u32 s5, $0x1;
	s5 =	sadd.s32 s21, s3  }
0x9d: {  	[timem:s7], [sflag:s22] =	dma.local [hbm:s5], s20  }
0x9e: {  	_ =	swait.ge [sflag:s22], s20  }
0x9f: {  	s4 =	ssub.s32 $0x0, s20;
	[sflag:s22] =	ssyncset.done $0x0  }
0xa0: {  	[sflag:s22] =	ssyncadd.s32 s4;
	_ =	sdelay $0x1  }
0xa1: {  	s23 =	simm.s32 $0x1B8B  }
0xa2: {  	_ =	swait.ge [sflag:s23], $0x1  }
0xa3: {  	[sflag:s23] =	ssyncset.done $0x0  }
0xa4: {  	s25 =	simm.s32 $0x1B8E;
	s24 =	sld [smem:$0x3FFE];
	[sflag:s23] =	ssyncadd.s32 $0xFFFFFFFF  }
0xa5: {  	s26 =	simm.s32 $execute0_lowered;
	[smem:$0x3FD2] =	sst s25  }
0xa6: {  	s5 =	sshll.u32 s26, $0x1;
	_ =	strace $0x80000046;
	[dreg:$0x1] =	wrdreg $0xFFFFFFFF  }
0xa7: {  	s28 =	simm.s32 $_size_execute0_lowered;
	s3 =	sadd.s32 s3, s5;
	[dreg:$0x0] =	wrdreg $0x0  }
0xa8: {  	s5 =	sshll.u32 s28, $0x1;
	[dreg:$0x2] =	wrdreg s3  }
0xa9: {  	[dreg:$0x3] =	wrdreg s5  }
0xaa: {  	[dreg:$0x4] =	wrdreg $0xC0  }
0xab: {  	_ =	task [dreg:s7], $0x5FFFF  }
0xac: {  	[dreg:$0x1] =	wrdreg $0xFFFFFFFF  }
0xad: {  	[dreg:$0x0] =	wrdreg $0x60  }
0xae: {  	[dreg:$0x2] =	wrdreg s24  }
0xaf: {  	[dreg:$0x3] =	wrdreg s2  }
0xb0: {  	[dreg:$0x4] =	wrdreg $0x9  }
0xb1: {  	_ =	task.clear_ibuf [dreg:s7], $0x5FFFF;
	_ =	strace $0x90000046  }
0xb2: {  	s29 =	simm.s32 $0x9;
	_ =	strace $0x80000048  }
0xb3: {  	_ =	swait.ge [sflag:s29], $0x1  }
0xb4: {  	[sflag:s29] =	ssyncadd.s32 $0xFFFFFFFF  }
0xb5: {  	_ =	strace $0x90000048  }
0xb6: {  	_ =	sfence  }
0xb7: {  	s30 =	sld [smem:$0x0];
	_ =	sdelay $0x2  }
0xb8: {  	s31 =	sshll.u32 s1, $0xD;
	s1 =	sshrl.u32 s1, $0x2  }
0xb9: {  	s3 =	sand.u32 $0x4000, s31;
	s1 =	sadd.s32 s1, s30  }
0xba: {  	s0 =	sor.u32 s3, s0;
	s1 =	sshll.u32 s1, $0x11  }
0xbb: {  	s0 =	sor.u32 s1, s0  }
0xbc: {  	s0 =	sadd.s32 $0x8F2B, s0  }
0xbd: {  	[sflag:s0] =	ssyncadd.remote.s32 $0x1  }
0xbe: {  	_ =	sfence.sel $0xFFFF  }
0xbf: {  	[dreg:$0x0] =	wrdreg $0xFFFFFFFF;
	(pc) =	sbr.abs _section_cstart, $3  }
0xc0: {  	[dreg:$0x1] =	wrdreg $0xFFFFFFFF  }
0xc1: {  	_ =	task.clear_ibuf [dreg:s7], $0x2FFFF;
	_ =	strace $0x9FFFFFFF  }
0xc2: {  	(tm) =	ssettm $0x7FFFFFFF  }
0xc3: {  	_ =	shalt  }
tec
execute0_lowered:
.L_overlay_start_1:
0x0: {  	(tag) =	ssettag $0x1  }
0x1: {  	s4 =	rddreg [dreg:$0x0];
	s1 =	srdreg.scid  }
0x2: {  	s0 =	stileid.u32;
	s2 =	rddreg [dreg:$0x1];
	s3 =	simm.s32 $0x0  }
0x3: {  	s10 =	simm.s32 $0x1380;
	s11 =	simm.s32 $0x1FC0;
	s12 =	simm.s32 $0x2C00  }
0x4: {  	s13 =	simm.s32 $0x3840;
	s14 =	simm.s32 $0x4480;
	s15 =	simm.s32 $0x50C0  }
0x5: {  	s16 =	simm.s32 $0x5D00;
	s17 =	simm.s32 $0x6940;
	s18 =	simm.s32 $0x0  }
0x6: {  	s5 =	sand.u32 $0x1, s1;
	s6 =	sshll.u32 s0, $0x1;
	s1 =	rddreg [dreg:$0x2]  }
0x7: {  	[smem:$0x7FF] =	sst s3;
	s6 =	sor.u32 s5, s6;
	s5 =	ssub.s32 $0x2, s5  }
0x8: {  	s9 =	sshrl.u32 s0, $0x3;
	s7 =	smul.u32 $0xE0, s6;
	s8 =	sshrl.u32 s5, $0x1  }
0x9: {  	_ =	strace $0x80000047;
	s8 =	ssub.s32 s5, s8;
	s5 =	sshll.u32 s6, $0x3  }
0xa: {  	s7 =	sadd.s32 s7, s4;
	s4 =	sadd.s32 $0x2800, s4;
	s8 =	smax.u32 s8, $0x1  }
0xb: {  	s6 =	sadd.s32 $0xC00, s7;
	s7 =	smul.u32 $0x31000, s9;
	s9 =	simm.s32 $0x1  }
.LBB2_1:
0xc: {  	[tilespmem:s3], [sflag:$0x1] =	stream.linear.gather [hbm4b:s6+s3], $0x700, $0x38;
	[tilespmem:$0x7580] =	vst v63  }
0xd: {  	_ =	swait.ge [sflag:s9], $0x700  }
0xe: {  	[sflag:s9] =	ssyncset.done $0x0  }
0xf: {  	s19 =	simm.s32 $0x0;
	[sflag:s9] =	ssyncadd.s32 $0xFFFFF900  }
.LBB2_2:
0x10: {  	s20 =	sshrl.u32 s19, $0x4  }
0x11: {  	s21 =	sand.u32 $0xF, s19;
	s22 =	smul.u32 $0xC400, s20  }
0x12: {  	s21 =	smul.u32 $0xC40, s21  }
0x13: {  	s22 =	sadd.s32 s7, s22  }
0x14: {  	s22 =	sadd.s32 s21, s22  }
0x15: {  	s22 =	sshrl.u32 s22, $0x3  }
0x16: {  	s24 =	simm.s32 $0x0;
	s23 =	sadd.s32 s4, s22;
	s22 =	simm.s32 $0x700  }
0x17: {  	[tilespmem:s22], [sflag:$0x1] =	stream.linear.gather [hbm4b:s23+s24], $0xC40, $0x38;
	[tilespmem:$0x7580] =	vst v63  }
0x18: {  	_ =	swait.ge [sflag:s9], $0xC40  }
0x19: {  	[sflag:s9] =	ssyncset.done $0x0  }
0x1a: {  	[sflag:s9] =	ssyncadd.s32 $0xFFFFF3C0  }
0x1b: {  	v0 =	vld [tilespmem:s22+$0x0];
	_ =	sdelay $0x7  }
0x1c: {  	v1 =	vld.idx.msk [tilespmem:v0+s3+$0x0], $0xffff  }
0x1d: {  	v2 =	vadd.s32 $0xE0, v0;
	_ =	sdelay $0x2  }
0x1e: {  	s23 =	simm.s32 $0x1380  }
0x1f: {  	[tilespmem:s23+$0x0] =	vst v1  }
0x20: {  	v1 =	vld.idx.msk [tilespmem:v2+s3+$0x0], $0xffff  }
0x21: {  	v2 =	vadd.s32 $0x1C0, v0;
	_ =	sdelay $0x3  }
0x22: {  	[tilespmem:s23+$0xC40] =	vst v1  }
0x23: {  	v1 =	vld.idx.msk [tilespmem:v2+s3+$0x0], $0xffff  }
0x24: {  	v2 =	vadd.s32 $0x2A0, v0;
	_ =	sdelay $0x2  }
0x25: {  	s24 =	sand.u32 $0xFF0, s24  }
0x26: {  	[tilespmem:s24+$0x2C00] =	vst v1  }
0x27: {  	v1 =	vld.idx.msk [tilespmem:v2+s3+$0x0], $0xffff  }
0x28: {  	v2 =	vadd.s32 $0x380, v0;
	_ =	sdelay $0x3  }
0x29: {  	[tilespmem:s23+$0x24C0] =	vst v1  }
0x2a: {  	v1 =	vld.idx.msk [tilespmem:v2+s3+$0x0], $0xffff  }
0x2b: {  	v2 =	vadd.s32 $0x460, v0;
	_ =	sdelay $0x3  }
0x2c: {  	[tilespmem:s24+$0x4480] =	vst v1  }
0x2d: {  	v1 =	vld.idx.msk [tilespmem:v2+s3+$0x0], $0xffff  }
0x2e: {  	v2 =	vadd.s32 $0x540, v0;
	_ =	sdelay $0x3  }
0x2f: {  	[tilespmem:s23+$0x3D40] =	vst v1  }
0x30: {  	v1 =	vld.idx.msk [tilespmem:v2+s3+$0x0], $0xffff  }
0x31: {  	v0 =	vadd.s32 $0x620, v0;
	_ =	sdelay $0x3  }
0x32: {  	[tilespmem:s24+$0x5D00] =	vst v1  }
0x33: {  	s24 =	simm.s32 $0x10;
	v0 =	vld.idx.msk [tilespmem:v0+s3+$0x0], $0xffff  }
.LBB2_3:
0x34: {  	_ =	sdelay $0x3  }
0x35: {  	p0 =	sne.s32 s24, $0xC30;
	s22 =	sadd.s32 $0x10, s22;
	[tilespmem:s23+$0x55C0] =	vst v0;
	s23 =	sadd.s32 $0x10, s23  }
0x36: {  	s25 =	smov.u32 s24;
	s24 =	sadd.s32 $0x10, s24;
	v0 =	vld [tilespmem:s22+$0x0];
	_ =	sdelay $0x7  }
0x37: {  	v1 =	vld.idx.msk [tilespmem:v0+s3+$0x0], $0xffff;
	_ =	sdelay $0x1  }
0x38: {  	v2 =	vadd.s32 $0xE0, v0;
	_ =	sdelay $0x3  }
0x39: {  	[tilespmem:s23+$0x0] =	vst v1  }
0x3a: {  	v1 =	vld.idx.msk [tilespmem:v2+s3+$0x0], $0xffff;
	_ =	sdelay $0x1  }
0x3b: {  	v2 =	vadd.s32 $0x1C0, v0;
	_ =	sdelay $0x3  }
0x3c: {  	[tilespmem:s23+$0xC40] =	vst v1  }
0x3d: {  	v1 =	vld.idx.msk [tilespmem:v2+s3+$0x0], $0xffff;
	_ =	sdelay $0x1  }
0x3e: {  	v2 =	vadd.s32 $0x2A0, v0;
	_ =	sdelay $0x2  }
0x3f: {  	s25 =	sand.u32 $0xFF0, s25  }
0x40: {  	[tilespmem:s25+$0x2C00] =	vst v1  }
0x41: {  	v1 =	vld.idx.msk [tilespmem:v2+s3+$0x0], $0xffff;
	_ =	sdelay $0x1  }
0x42: {  	v2 =	vadd.s32 $0x380, v0;
	_ =	sdelay $0x3  }
0x43: {  	[tilespmem:s23+$0x24C0] =	vst v1  }
0x44: {  	v1 =	vld.idx.msk [tilespmem:v2+s3+$0x0], $0xffff;
	_ =	sdelay $0x1  }
0x45: {  	v2 =	vadd.s32 $0x460, v0;
	_ =	sdelay $0x3  }
0x46: {  	[tilespmem:s25+$0x4480] =	vst v1  }
0x47: {  	v1 =	vld.idx.msk [tilespmem:v2+s3+$0x0], $0xffff;
	_ =	sdelay $0x1  }
0x48: {  	v2 =	vadd.s32 $0x540, v0;
	_ =	sdelay $0x3  }
0x49: {  	[tilespmem:s23+$0x3D40] =	vst v1  }
0x4a: {  	v1 =	vld.idx.msk [tilespmem:v2+s3+$0x0], $0xffff;
	_ =	sdelay $0x1  }
0x4b: {  	v0 =	vadd.s32 $0x620, v0  }
.Ltmp0:
0x4c: {  	(pc) =	sbr.rel @p0 .LBB2_3-.Ltmp0, $3  }
0x4d: {  	_ =	sdelay $0x1  }
0x4e: {  	[tilespmem:s25+$0x5D00] =	vst v1  }
0x4f: {  	v0 =	vld.idx.msk [tilespmem:v0+s3+$0x0], $0xffff  }
0x50: {  	s20 =	sshll.u32 s20, $0x8  }
0x51: {  	s20 =	sor.u32 s5, s20  }
0x52: {  	s20 =	smul.u32 $0xC400, s20;
	_ =	sdelay $0x1  }
0x53: {  	s20 =	sadd.s32 s21, s20  }
0x54: {  	s20 =	sshrl.u32 s20, $0x3  }
0x55: {  	[tilespmem:s23+$0x55C0] =	vst v0;
	s20 =	sadd.s32 s2, s20  }
0x56: {  	[hbm4b:s20+s3] =	stream.linear.scatter [tilespmem:s10], [sflag:$0x1], $0xC40, $0x38;
	[tilespmem:$0x7580] =	vst v63  }
0x57: {  	_ =	swait.ge [sflag:s9], $0xC40  }
0x58: {  	[sflag:s9] =	ssyncset.done $0x0  }
0x59: {  	s25 =	sadd.s32 $0x1880, s20;
	[sflag:s9] =	ssyncadd.s32 $0xFFFFF3C0  }
0x5a: {  	[hbm4b:s25+s3] =	stream.linear.scatter [tilespmem:s11], [sflag:$0x1], $0xC40, $0x38;
	[tilespmem:$0x7580] =	vst v63  }
0x5b: {  	_ =	swait.ge [sflag:s9], $0xC40  }
0x5c: {  	[sflag:s9] =	ssyncset.done $0x0  }
0x5d: {  	s26 =	sadd.s32 $0x3100, s20;
	[sflag:s9] =	ssyncadd.s32 $0xFFFFF3C0  }
0x5e: {  	[hbm4b:s26+s3] =	stream.linear.scatter [tilespmem:s12], [sflag:$0x1], $0xC40, $0x38;
	[tilespmem:$0x7580] =	vst v63  }
0x5f: {  	_ =	swait.ge [sflag:s9], $0xC40  }
0x60: {  	[sflag:s9] =	ssyncset.done $0x0  }
0x61: {  	s28 =	sadd.s32 $0x4980, s20;
	[sflag:s9] =	ssyncadd.s32 $0xFFFFF3C0  }
0x62: {  	[hbm4b:s28+s3] =	stream.linear.scatter [tilespmem:s13], [sflag:$0x1], $0xC40, $0x38;
	[tilespmem:$0x7580] =	vst v63  }
0x63: {  	_ =	swait.ge [sflag:s9], $0xC40  }
0x64: {  	[sflag:s9] =	ssyncset.done $0x0  }
0x65: {  	s29 =	sadd.s32 $0x6200, s20;
	[sflag:s9] =	ssyncadd.s32 $0xFFFFF3C0  }
0x66: {  	[hbm4b:s29+s3] =	stream.linear.scatter [tilespmem:s14], [sflag:$0x1], $0xC40, $0x38;
	[tilespmem:$0x7580] =	vst v63  }
0x67: {  	_ =	swait.ge [sflag:s9], $0xC40  }
0x68: {  	[sflag:s9] =	ssyncset.done $0x0  }
0x69: {  	s30 =	sadd.s32 $0x7A80, s20;
	[sflag:s9] =	ssyncadd.s32 $0xFFFFF3C0  }
0x6a: {  	[hbm4b:s30+s3] =	stream.linear.scatter [tilespmem:s15], [sflag:$0x1], $0xC40, $0x38;
	[tilespmem:$0x7580] =	vst v63  }
0x6b: {  	_ =	swait.ge [sflag:s9], $0xC40  }
0x6c: {  	[sflag:s9] =	ssyncset.done $0x0  }
0x6d: {  	s31 =	sadd.s32 $0x9300, s20;
	[sflag:s9] =	ssyncadd.s32 $0xFFFFF3C0  }
0x6e: {  	[hbm4b:s31+s3] =	stream.linear.scatter [tilespmem:s16], [sflag:$0x1], $0xC40, $0x38;
	[tilespmem:$0x7580] =	vst v63  }
0x6f: {  	s19 =	sadd.s32 $0x1, s19;
	_ =	swait.ge [sflag:s9], $0xC40  }
0x70: {  	p0 =	sne.s32 s19, $0x40;
	[sflag:s9] =	ssyncset.done $0x0  }
.Ltmp1:
0x71: {  	s20 =	sadd.s32 $0xAB80, s20;
	[sflag:s9] =	ssyncadd.s32 $0xFFFFF3C0;
	(pc) =	sbr.rel @p0 .LBB2_2-.Ltmp1, $4  }
0x72: {  	[hbm4b:s20+s3] =	stream.linear.scatter [tilespmem:s17], [sflag:$0x1], $0xC40, $0x38;
	[tilespmem:$0x7580] =	vst v63  }
0x73: {  	_ =	swait.ge [sflag:s9], $0xC40  }
0x74: {  	[sflag:s9] =	ssyncset.done $0x0  }
0x75: {  	[sflag:s9] =	ssyncadd.s32 $0xFFFFF3C0  }
0x76: {  	s18 =	sadd.s32 $0x1, s18  }
0x77: {  	p0 =	sne.s32 s18, s8  }
.Ltmp2:
0x78: {  	_ = 	snop;
	(pc) =	sbr.rel @p0 .LBB2_1-.Ltmp2, $1  }
0x79: {  	_ =	sdelay $0x3  }
0x7a: {  	_ =	sfence.sel $0x180000  }
0x7b: {  	[bflag:$0x0] =	sbarrier.arrive $0xFFFF  }
0x7c: {  	p0 =	sne.s32 s0, $0x0;
	_ =	strace $0x90000047  }
0x7d: {  	s0 =	sadd.s32 @!p0 $0x100000, s1;
	[bflag:$0x2] =	sbarrier.arrive $0xFFFF  }
0x7e: {  	[sflag:s0] =	ssyncadd.tile.s32 @!p0 $0x1;
	_ =	shalt  }
.Lfunc_end2:
_tile_overlayer_lowered:
.L_overlay_start_2:
0x7f: {  	(tag) =	ssettag $0x2  }
0x80: {  	s0 =	rddreg [dreg:$0x0];
	s2 =	stileid.u32  }
0x81: {  	s1 =	rddreg [dreg:$0x1];
	p0 =	sne.s32 s2, $0x0  }
0x82: {  	s3 =	rddreg [dreg:$0x2];
	[bflag:$0x3] =	sbarrier.arrive $0xFFFF;
	s2 =	simm.s32 @!p0 $0x1C01  }
0x83: {  	[timem:s3], [sflag:s2] =	dma.local @!p0 [hbm:s0], s1  }
0x84: {  	s0 =	simm.s32 @!p0 $0x1  }
0x85: {  	_ =	swait.ge @!p0 [sflag:s0], s1  }
0x86: {  	s1 =	ssub.s32 @!p0 $0x0, s1;
	[sflag:s0] =	ssyncset.done @!p0 $0x0  }
0x87: {  	[sflag:s0] =	ssyncadd.s32 @!p0 s1  }
0x88: {  	[bflag:$0x3] =	sbarrier.arrive $0xFFFF  }
0x89: {  	_ =	shalt  }

// kernel: sparse-core-data-format-call.cloned.1.call-start
scs
called_computation_lowered:
.L_overlay_start_0:
0x0: {  	s2 =	sld [smem:$0x3FD9]  }
0x1: {  	s3 =	sld [smem:$0x3FFE];
	_ =	sdelay $0x1  }
0x2: {  	s1 =	srdreg.scid  }
0x3: {  	s0 =	sand.u32 $0x1, s1  }
0x4: {  	s18 =	sshll.u32 s0, $0xA;
	s2 =	sadd.s32 s3, s2  }
0x5: {  	s2 =	sadd.s32 s2, s18  }
0x6: {  	[smem:$0x3FC4] =	sst s2  }
0x7: {  	_ = 	snop  }
0x8: {  	s2 =	sld [smem:$0x3FD0];
	(tm) =	ssettm $0x1  }
0x9: {  	s19 =	sld [smem:$0x3FFB];
	_ =	sdelay $0x3  }
0xa: {  	_ =	strace s19  }
0xb: {  	s3 =	sld [smem:$0x3FFC];
	_ =	sdelay $0x3  }
0xc: {  	_ =	strace s3  }
0xd: {  	s3 =	sld [smem:$0x3FFD];
	_ =	sdelay $0x3  }
0xe: {  	_ =	strace s3  }
0xf: {  	_ =	strace $0x8FFFFFFF  }
0x10: {  	s20 =	sld [smem:$0x3FDB];
	_ =	sdelay $0x1  }
0x11: {  	s4 =	simm.s32 $_scs_section_size  }
0x12: {  	s5 =	simm.s32 $_size__tile_overlayer_lowered;
	s6 =	simm.s32 $_tile_overlayer_lowered  }
0x13: {  	s23 =	simm.s32 $0x1BFF;
	s22 =	sshll.u32 s6, $0x1;
	s3 =	sadd.s32 s4, s20  }
0x14: {  	s7 =	simm.s32 $0x0;
	s21 =	sshll.u32 s5, $0x1;
	s5 =	sadd.s32 s22, s3  }
0x15: {  	[timem:s7], [sflag:s23] =	dma.local [hbm:s5], s21  }
0x16: {  	_ =	swait.ge [sflag:s23], s21  }
0x17: {  	s4 =	ssub.s32 $0x0, s21;
	[sflag:s23] =	ssyncset.done $0x0  }
0x18: {  	[sflag:s23] =	ssyncadd.s32 s4;
	_ =	sdelay $0x1  }
0x19: {  	s24 =	simm.s32 $0x1B8B  }
0x1a: {  	_ =	swait.ge [sflag:s24], $0x1  }
0x1b: {  	[sflag:s24] =	ssyncset.done $0x0  }
0x1c: {  	s26 =	simm.s32 $0x1B8E;
	s25 =	sld [smem:$0x3FFE];
	[sflag:s24] =	ssyncadd.s32 $0xFFFFFFFF  }
0x1d: {  	s27 =	simm.s32 $execute0_lowered;
	[smem:$0x3FD2] =	sst s26  }
0x1e: {  	s5 =	sshll.u32 s27, $0x1;
	_ =	strace $0x80000049;
	[dreg:$0x1] =	wrdreg $0xFFFFFFFF  }
0x1f: {  	s28 =	simm.s32 $_size_execute0_lowered;
	s3 =	sadd.s32 s3, s5;
	[dreg:$0x0] =	wrdreg $0x0  }
0x20: {  	s5 =	sshll.u32 s28, $0x1;
	[dreg:$0x2] =	wrdreg s3  }
0x21: {  	[dreg:$0x3] =	wrdreg s5  }
0x22: {  	[dreg:$0x4] =	wrdreg $0xC0  }
0x23: {  	_ =	task [dreg:s7], $0x5FFFF  }
0x24: {  	[dreg:$0x1] =	wrdreg $0xFFFFFFFF  }
0x25: {  	[dreg:$0x0] =	wrdreg $0x60  }
0x26: {  	[dreg:$0x2] =	wrdreg s25  }
0x27: {  	[dreg:$0x3] =	wrdreg s2  }
0x28: {  	[dreg:$0x4] =	wrdreg $0x9  }
0x29: {  	_ =	task.clear_ibuf [dreg:s7], $0x5FFFF;
	_ =	strace $0x90000049  }
0x2a: {  	s29 =	simm.s32 $0x9;
	_ =	strace $0x8000004B  }
0x2b: {  	_ =	swait.ge [sflag:s29], $0x1  }
0x2c: {  	[sflag:s29] =	ssyncadd.s32 $0xFFFFFFFF  }
0x2d: {  	_ =	strace $0x9000004B  }
0x2e: {  	_ =	sfence  }
0x2f: {  	s30 =	sld [smem:$0x0];
	_ =	sdelay $0x2  }
0x30: {  	s31 =	sshll.u32 s1, $0xD;
	s1 =	sshrl.u32 s1, $0x2  }
0x31: {  	s3 =	sand.u32 $0x4000, s31;
	s1 =	sadd.s32 s1, s30  }
0x32: {  	s0 =	sor.u32 s3, s0;
	s1 =	sshll.u32 s1, $0x11  }
0x33: {  	s0 =	sor.u32 s1, s0  }
0x34: {  	s0 =	sadd.s32 $0x8F2B, s0  }
0x35: {  	[sflag:s0] =	ssyncadd.remote.s32 $0x1  }
0x36: {  	_ =	sfence.sel $0xFFFF  }
0x37: {  	[dreg:$0x0] =	wrdreg $0xFFFFFFFF;
	(pc) =	sbr.abs _section_cstart, $3  }
0x38: {  	[dreg:$0x1] =	wrdreg $0xFFFFFFFF  }
0x39: {  	_ =	task.clear_ibuf [dreg:s7], $0x2FFFF;
	_ =	strace $0x9FFFFFFF  }
0x3a: {  	(tm) =	ssettm $0x7FFFFFFF  }
0x3b: {  	_ =	shalt  }
tec
execute0_lowered:
.L_overlay_start_1:
0x0: {  	(tag) =	ssettag $0x1  }
0x1: {  	s0 =	stileid.u32;
	s4 =	rddreg [dreg:$0x0]  }
0x2: {  	_ =	strace $0x8000004A;
	s6 =	srdreg.scid;
	s9 =	simm.s32 $0x2  }
0x3: {  	s20 =	simm.s32 $0x0;
	p0 =	por $0x0, $0x0;
	s22 =	simm.s32 $0x0  }
0x4: {  	s21 =	simm.s32 $0x0;
	s23 =	simm.s32 $0x0;
	s11 =	simm.s32 $0x0  }
0x5: {  	s13 =	simm.s32 $0x0;
	s14 =	simm.s32 $0x0;
	s1 =	sshll.u32 s0, $0x5  }
0x6: {  	s15 =	simm.s32 $0x0;
	s6 =	sshll.u32 s6, $0x4;
	s3 =	sand.u32 $0x80, s1  }
0x7: {  	s19 =	simm.s32 $0x0;
	s6 =	sand.u32 $0x10, s6;
	s5 =	ssub.s32 $0x100, s3  }
0x8: {  	s4 =	sadd.s32 $0xC00, s4;
	s8 =	sor.u32 s0, s6;
	s7 =	sshrl.u32 s5, $0x7  }
.Ltmp0:
0x9: {  	s5 =	sshrl.u32 s5, $0x8;
	s7 =	sand.u32 $0x1, s7;
	(pc) =	sbr.rel .LBB1_1-.Ltmp0, $4  }
0xa: {  	s17 =	smov.u32 s3;
	s8 =	sshrl.u32 s8, $0x3;
	s7 =	sadd.s32 s5, s7  }
0xb: {  	s16 =	smov.u32 s8;
	s5 =	simm.s32 $0x1;
	s6 =	smul.u32 $0x70, s7  }
0xc: {  	s7 =	sand.u32 $0x3, s0;
	[sflag:s5] =	ssyncpa.u1 $0x0;
	s0 =	simm.s32 $0x0  }
0xd: {  	[sflag:s9] =	ssyncpa.u1 $0x0;
	s18 =	smov.u32 s7;
	s9 =	sor.u32 $0x1, s6  }
.LBB1_4:
0xe: {  	v5 =	vld [tilespmem:s25+$0xFFFFFFD0]  }
0xf: {  	s28 =	sshra.s32 s28, $0x2;
	s1 =	sshll.u32 s11, $0x8;
	[tilespmem:s26+$0x2040 ss:$0x81] =	vst.msk $0xffff, v4;
	v58 =	vld [tilespmem:s25+$0xFFFFFFE0]  }
0x10: {  	p1 =	sgt.s32 s14, $0x3;
	s29 =	smov.u32 s14;
	s30 =	sshra.s32 s14, $0x1F;
	[tilespmem:s26+$0x2850 ss:$0x81] =	vst.msk $0xffff, v3;
	v59 =	vld [tilespmem:s25+$0xFFFFFFF0]  }
0x11: {  	s31 =	sshll.u32 s13, $0x3;
	s10 =	sshra.s32 s13, $0x1F;
	s12 =	smov.u32 s0;
	[tilespmem:s26+$0x3060 ss:$0x81] =	vst.msk $0xffff, v2;
	v60 =	vld [tilespmem:s25+$0x0]  }
0x12: {  	[tilespmem:s26+$0x0 ss:$0x81] =	vst.msk $0xffff, v1;
	v61 =	vld [tilespmem:s25+$0x10];
	s26 =	sand.u32 $0x78, s13;
	s27 =	sadd.s32 s28, s27;
	s29 =	simm.s32 @!p1 $0x3  }
0x13: {  	v62 =	vld [tilespmem:s25+$0x20];
	s30 =	sand.u32 s30, s14;
	s28 =	sand.u32 $0xFFFFF800, s1;
	s31 =	sand.u32 $0xFFFFFC00, s31  }
0x14: {  	v63 =	vld [tilespmem:s25+$0xFFFFFFC0];
	s25 =	smul.u32 $0x188000, s14;
	s29 =	ssub.s32 s29, s30;
	s28 =	sadd.s32 s31, s28  }
0x15: {  	s30 =	sshll.u32 s11, $0x7;
	s31 =	sand.u32 s10, s13;
	s10 =	sshra.s32 s11, $0x1F  }
0x16: {  	s2 =	sadd.s32 $0xFFFFFFFD, s29;
	s1 =	sand.u32 $0x300, s30;
	s29 =	ssub.s32 $0x4, s29  }
0x17: {  	s10 =	sand.u32 s10, s11;
	p1 =	sgt.s32 s2, $0x0;
	s1 =	sor.u32 s1, s28  }
0x18: {  	s28 =	smov.u32 s13;
	s29 =	simm.s32 @p1 $0x0;
	p1 =	sgt.s32 s13, $0x80  }
0x19: {  	s2 =	sshra.s32 s0, $0x1F;
	s28 =	simm.s32 @!p1 $0x80;
	p1 =	sgt.s32 s0, $0xDF  }
0x1a: {  	s1 =	sshrl.u32 s1, $0x8;
	s2 =	sand.u32 s2, s0;
	s12 =	simm.s32 @!p1 $0xDF  }
0x1b: {  	s28 =	ssub.s32 s28, s31;
	p1 =	sgt.s32 s11, $0x60;
	s2 =	ssub.s32 s12, s2  }
0x1c: {  	s12 =	smov.u32 s11;
	s31 =	sadd.s32 $0xFFFFFF80, s28;
	s28 =	ssub.s32 $0x100, s28  }
0x1d: {  	s12 =	simm.s32 @!p1 $0x60;
	p1 =	sgt.s32 s31, $0x7F;
	s31 =	sadd.s32 $0xFFFFFF21, s2  }
0x1e: {  	s28 =	simm.s32 @p1 $0x0;
	p1 =	sgt.s32 s31, $0x0;
	s31 =	smulhi.u32 $0x124924A, s1  }
0x1f: {  	s30 =	sand.u32 $0x80, s30;
	s10 =	ssub.s32 s12, s10;
	s12 =	smul.u32 s29, s28  }
0x20: {  	[tilespmem:s27+$0x3870 ss:$0x81] =	vst.msk $0xffff, v0;
	s2 =	ssub.s32 $0xE0, s2;
	s29 =	sor.u32 s26, s30;
	s30 =	smul.u32 $0x1C00, s0  }
0x21: {  	[tilespmem:s27+$0x810 ss:$0x81] =	vst.msk $0xffff, v5;
	s2 =	simm.s32 @p1 $0x0;
	s28 =	smul.u32 $0xE0, s31;
	s31 =	sadd.s32 $0xFFFFFFA0, s10  }
0x22: {  	[tilespmem:s27+$0x1020 ss:$0x81] =	vst.msk $0xffff, v58;
	s10 =	ssub.s32 $0xE0, s10;
	s2 =	smul.u32 s2, s12;
	p1 =	sgt.s32 s31, $0x7F  }
0x23: {  	[tilespmem:s27+$0x1830 ss:$0x81] =	vst.msk $0xffff, v59;
	s31 =	rddreg [dreg:$0x1];
	s10 =	simm.s32 @p1 $0x0;
	s1 =	ssub.s32 s1, s28  }
0x24: {  	[tilespmem:s27+$0x2040 ss:$0x81] =	vst.msk $0xffff, v60;
	s28 =	sand.u32 $0x7, s13;
	s2 =	smul.u32 s10, s2;
	s10 =	sadd.s32 s31, s25  }
0x25: {  	[tilespmem:s27+$0x2850 ss:$0x81] =	vst.msk $0xffff, v61;
	s25 =	sshrl.u32 s29, $0x3;
	s1 =	sshll.u32 s1, $0x5;
	s10 =	sadd.s32 s30, s10  }
0x26: {  	[tilespmem:s27+$0x3060 ss:$0x81] =	vst.msk $0xffff, v62;
	s29 =	sshll.u32 s28, $0x12;
	s31 =	simm.s32 $0x800;
	s10 =	sadd.s32 s25, s10  }
0x27: {  	[tilespmem:s27+$0x0 ss:$0x81] =	vst.msk $0xffff, v63;
	s30 =	sor.u32 $0x400, s29;
	s2 =	sand.u32 $0x3FFFFFFF, s2;
	s1 =	sadd.s32 s1, s10  }
0x28: {  	[hbm4b:s1+s30] =	stream.strided.scatter [tilespmem:s24], [sflag:$0x2], s2, s31, s30, $0x20;
	[tilespmem:$0x10100] =	vst v63  }
.LBB1_5:
0x29: {  	p1 =	slt.u32 s19, $0x2;
	s1 =	smov.u32 s23  }
0x2a: {  	s10 =	smov.u32 s22;
	s24 =	smov.u32 s16;
	s25 =	smov.u32 s17  }
0x2b: {  	p0 =	por !p0, !p0;
	p2 =	sgt.s32 @!p1 s23, $0x3;
	s2 =	sshra.s32 @!p1 s23, $0x1F  }
0x2c: {  	s12 =	sshra.s32 @!p1 s22, $0x1F;
	p2 =	por !p2, p1;
	s2 =	sand.u32 @!p1 s2, s23  }
0x2d: {  	s23 =	smov.u32 s14;
	s1 =	simm.s32 @p2 $0x3;
	p2 =	sgt.s32 @!p1 s22, $0xDF  }
0x2e: {  	s14 =	smov.u32 s18;
	s1 =	ssub.s32 @!p1 s1, s2;
	p2 =	por !p2, p1  }
0x2f: {  	s2 =	sadd.s32 @!p1 $0xFFFFFFFD, s1;
	s10 =	simm.s32 @p2 $0xDF;
	s1 =	ssub.s32 @!p1 $0x4, s1  }
0x30: {  	p3 =	sgt.s32 @!p1 s2, $0x0;
	s2 =	sand.u32 @!p1 s12, s22;
	s12 =	sshra.s32 @!p1 s21, $0x1F  }
0x31: {  	p2 =	por !p3, p1;
	s2 =	ssub.s32 @!p1 s10, s2;
	s12 =	sand.u32 @!p1 s12, s21  }
0x32: {  	s1 =	simm.s32 @!p2 $0x0;
	s10 =	sadd.s32 @!p1 $0xFFFFFF21, s2;
	p2 =	sgt.s32 @!p1 s21, $0x80  }
0x33: {  	p3 =	sgt.s32 @!p1 s10, $0x0;
	p2 =	por !p2, p1;
	s10 =	smov.u32 s21  }
0x34: {  	s2 =	ssub.s32 @!p1 $0xE0, s2;
	s10 =	simm.s32 @p2 $0x80;
	p2 =	sgt.s32 @!p1 s20, $0x60  }
0x35: {  	s21 =	sshra.s32 @!p1 s20, $0x1F;
	s10 =	ssub.s32 @!p1 s10, s12;
	p2 =	por !p2, p1  }
0x36: {  	s12 =	smov.u32 s20;
	s20 =	sand.u32 @!p1 s21, s20;
	s21 =	sadd.s32 @!p1 $0xFFFFFF80, s10  }
0x37: {  	p3 =	por !p3, p1;
	s12 =	simm.s32 @p2 $0x60;
	p2 =	sgt.s32 @!p1 s21, $0x7F  }
0x38: {  	s10 =	ssub.s32 @!p1 $0x100, s10;
	s12 =	ssub.s32 @!p1 s12, s20;
	p2 =	por !p2, p1  }
0x39: {  	s2 =	simm.s32 @!p3 $0x0;
	s20 =	sadd.s32 @!p1 $0xFFFFFFA0, s12;
	s10 =	simm.s32 @!p2 $0x0  }
0x3a: {  	s12 =	ssub.s32 @!p1 $0xE0, s12;
	s1 =	smul.u32 @!p1 s1, s10;
	s10 =	sadd.s32 $0x80, s15  }
0x3b: {  	p2 =	sgt.s32 @!p1 s20, $0x7F;
	s20 =	sadd.s32 $0x4, s16;
	p3 =	sgt.s32 s10, $0xDF  }
0x3c: {  	p2 =	por !p2, p1;
	s1 =	smul.u32 @!p1 s2, s1;
	s24 =	smov.u32 @p3 s20  }
0x3d: {  	s12 =	simm.s32 @!p2 $0x0;
	s2 =	sadd.s32 $0x100, s17;
	p2 =	sgt.s32 s24, $0xDF  }
0x3e: {  	s10 =	simm.s32 @p3 $0x0;
	s1 =	smul.u32 @!p1 s12, s1;
	s25 =	smov.u32 @p2 s2  }
0x3f: {  	s2 =	sadd.s32 $0x4, s18;
	s12 =	smov.u32 s18;
	p3 =	sgt.s32 s25, $0xFF  }
0x40: {  	s22 =	smov.u32 s0;
	s0 =	smov.u32 s16;
	s12 =	smov.u32 @p3 s2  }
0x41: {  	s21 =	smov.u32 s13;
	s24 =	smov.u32 @p2 s8;
	p2 =	sgt.s32 s12, $0x3  }
0x42: {  	s13 =	smov.u32 s17;
	s12 =	smov.u32 @p2 s7;
	p2 =	sne.s32 s19, s9  }
.Ltmp1:
0x43: {  	s20 =	smov.u32 s11;
	s11 =	smov.u32 s15;
	(pc) =	sbr.rel @!p2 .LBB1_6-.Ltmp1, $4  }
0x44: {  	s15 =	smov.u32 s10;
	s1 =	sand.u32 @!p1 $0x3FFFFFFF, s1;
	s2 =	simm.s32 @!p1 $0x2  }
0x45: {  	s16 =	smov.u32 s24;
	s25 =	smov.u32 @p3 s3;
	_ =	swait.ge @!p1 [sflag:s2], s1  }
0x46: {  	s1 =	ssub.s32 @!p1 $0x0, s1;
	s17 =	smov.u32 s25;
	[sflag:s2] =	ssyncset.done @!p1 $0x0  }
0x47: {  	s19 =	sadd.s32 $0x1, s19;
	[sflag:s2] =	ssyncadd.s32 @!p1 s1;
	s18 =	smov.u32 s12  }
.LBB1_1:
0x48: {  	p1 =	sge.u32 s19, s6  }
0x49: {  	s24 =	sshll.u32 @!p1 s16, $0x8;
	s25 =	sshll.u32 @!p1 s15, $0x3  }
0x4a: {  	s26 =	sshll.u32 @!p1 s16, $0x7;
	s24 =	sand.u32 @!p1 $0xFFFFF800, s24;
	s25 =	sand.u32 @!p1 $0xFFFFFC00, s25  }
0x4b: {  	s24 =	sadd.s32 @!p1 s24, s25;
	s25 =	sand.u32 @!p1 $0x300, s26  }
0x4c: {  	s24 =	sor.u32 @!p1 s25, s24  }
0x4d: {  	s24 =	sshrl.u32 @!p1 s24, $0x8  }
0x4e: {  	s25 =	smulhi.u32 @!p1 $0x124924A, s24  }
0x4f: {  	s31 =	sadd.s32 $0xFFFFFFFF, s19;
	s27 =	sxor.u32 @!p1 $0xFFFFFFFF, s19;
	s29 =	smul.u32 @!p1 $0x1C0000, s18  }
0x50: {  	s28 =	sand.u32 @!p1 $0x78, s15;
	s26 =	sand.u32 @!p1 $0x80, s26;
	s25 =	smul.u32 @!p1 $0xE0, s25  }
0x51: {  	s27 =	sshll.u32 @!p1 s27, $0xE;
	s26 =	sor.u32 @!p1 s28, s26;
	s28 =	smul.u32 @!p1 $0x1C00, s17  }
0x52: {  	s24 =	ssub.s32 @!p1 s24, s25;
	s25 =	sand.u32 @!p1 $0x4000, s27;
	s27 =	sadd.s32 @!p1 s4, s29  }
0x53: {  	s26 =	sshrl.u32 @!p1 s26, $0x3;
	s27 =	sadd.s32 @!p1 s28, s27;
	s28 =	sand.u32 @!p1 $0x7, s15  }
0x54: {  	s24 =	sshll.u32 @!p1 s24, $0x5;
	s26 =	sadd.s32 @!p1 s26, s27;
	s27 =	sshll.u32 @!p1 s28, $0x12  }
0x55: {  	s24 =	sadd.s32 @!p1 s24, s26;
	s26 =	sor.u32 @!p1 $0x80, s27;
	s27 =	simm.s32 @!p1 $0xE000  }
0x56: {  	[tilespmem:s25], [sflag:$0x1] =	stream.strided.gather @!p1 [hbm4b:s24+s26], $0x4000, s27, s26, $0x38;
	[tilespmem:$0x10100] =	vst v63  }
0x57: {  	p1 =	sge.u32 s31, s6  }
.Ltmp2:
0x58: {  	_ = 	snop;
	(pc) =	sbr.rel @p1 .LBB1_5-.Ltmp2, $1  }
0x59: {  	_ =	sdelay $0x3  }
0x5a: {  	s24 =	simm.s32 $0x1  }
0x5b: {  	_ =	swait.ge [sflag:s5], $0x4000;
	s24 =	simm.s32 @!p0 $0x0  }
0x5c: {  	[sflag:s5] =	ssyncset.done $0x0;
	s25 =	sshll.u32 s24, $0xE  }
0x5d: {  	[sflag:s5] =	ssyncadd.s32 $0xFFFFC000;
	s25 =	sor.u32 $0x40, s25  }
0x5e: {  	s24 =	smul.u32 $0x10200, s24;
	v0 =	vld [tilespmem:s25+$0x30]  }
0x5f: {  	v1 =	vld [tilespmem:s25+$0xFFFFFFD0]  }
0x60: {  	s24 =	sshrl.u32 s24, $0x2;
	v5 =	vld [tilespmem:s25+$0xFFFFFFE0]  }
0x61: {  	v6 =	vld [tilespmem:s25+$0xFFFFFFF0];
	s27 =	sor.u32 $0x8000, s24  }
0x62: {  	s31 =	sand.u32 $0x1, s19;
	v4 =	vld [tilespmem:s25+$0x0];
	s26 =	sadd.s32 $0x0, s27  }
0x63: {  	v3 =	vld [tilespmem:s25+$0x10];
	s24 =	smul.u32 $0x10200, s31;
	[tilespmem:s26+$0x3870 ss:$0x81] =	vst.msk $0xffff, v0  }
0x64: {  	v2 =	vld [tilespmem:s25+$0x20];
	[tilespmem:s26+$0x810 ss:$0x81] =	vst.msk $0xffff, v1  }
0x65: {  	s24 =	sshrl.u32 s24, $0x2;
	v1 =	vld [tilespmem:s25+$0xFFFFFFC0];
	[tilespmem:s26+$0x1020 ss:$0x81] =	vst.msk $0xffff, v5;
	s25 =	sadd.s32 $0x80, s25  }
0x66: {  	s28 =	simm.s32 $0x4;
	s29 =	simm.s32 $0x8;
	s24 =	sor.u32 $0x8000, s24;
	[tilespmem:s26+$0x1830 ss:$0x81] =	vst.msk $0xffff, v6;
	v0 =	vld [tilespmem:s25+$0x30]  }
.LBB1_3:
0x67: {  	p1 =	sne.s32 s29, $0x1FC;
	v5 =	vld [tilespmem:s25+$0xFFFFFFD0];
	[tilespmem:s26+$0x2040 ss:$0x81] =	vst.msk $0xffff, v4  }
0x68: {  	v6 =	vld [tilespmem:s25+$0xFFFFFFE0];
	[tilespmem:s26+$0x2850 ss:$0x81] =	vst.msk $0xffff, v3  }
0x69: {  	s30 =	sshra.s32 s28, $0x2;
	s28 =	smov.u32 s29;
	v7 =	vld [tilespmem:s25+$0xFFFFFFF0];
	[tilespmem:s26+$0x3060 ss:$0x81] =	vst.msk $0xffff, v2  }
.Ltmp3:
0x6a: {  	v4 =	vld [tilespmem:s25+$0x0];
	[tilespmem:s26+$0x0 ss:$0x81] =	vst.msk $0xffff, v1;
	s26 =	sadd.s32 s30, s27;
	(pc) =	sbr.rel @p1 .LBB1_3-.Ltmp3, $4  }
0x6b: {  	v3 =	vld [tilespmem:s25+$0x10];
	[tilespmem:s26+$0x3870 ss:$0x81] =	vst.msk $0xffff, v0  }
0x6c: {  	[tilespmem:s26+$0x810 ss:$0x81] =	vst.msk $0xffff, v5;
	v2 =	vld [tilespmem:s25+$0x20]  }
0x6d: {  	v1 =	vld [tilespmem:s25+$0xFFFFFFC0];
	[tilespmem:s26+$0x1020 ss:$0x81] =	vst.msk $0xffff, v6;
	s25 =	sadd.s32 $0x80, s25  }
0x6e: {  	s29 =	sadd.s32 $0x4, s29;
	v0 =	vld [tilespmem:s25+$0x30];
	[tilespmem:s26+$0x1830 ss:$0x81] =	vst.msk $0xffff, v7  }
.Ltmp4:
0x6f: {  	_ = 	snop;
	(pc) =	sbr.rel .LBB1_4-.Ltmp4, $1  }
0x70: {  	_ =	sdelay $0x3  }
.LBB1_6:
0x71: {  	_ =	sfence.sel $0x180000  }
0x72: {  	s0 =	simm.s32 $0x1;
	[bflag:$0x0] =	sbarrier.arrive $0xFFFF  }
0x73: {  	s30 =	simm.s32 $0x2;
	[sflag:s0] =	ssyncpa.u1 $0x1  }
0x74: {  	[sflag:s30] =	ssyncpa.u1 $0x1  }
0x75: {  	_ =	strace $0x9000004A  }
0x76: {  	s31 =	stileid.u32;
	[bflag:$0x2] =	sbarrier.arrive $0xFFFF  }
0x77: {  	p0 =	sne.s32 s31, $0x0;
	s0 =	rddreg [dreg:$0x2]  }
0x78: {  	s0 =	sadd.s32 @!p0 $0x100000, s0  }
0x79: {  	[sflag:s0] =	ssyncadd.tile.s32 @!p0 $0x1;
	_ =	shalt  }
.Lfunc_end1:
_tile_overlayer_lowered:
.L_overlay_start_2:
0x7a: {  	(tag) =	ssettag $0x2  }
0x7b: {  	s0 =	rddreg [dreg:$0x0];
	s2 =	stileid.u32  }
0x7c: {  	s1 =	rddreg [dreg:$0x1];
	p0 =	sne.s32 s2, $0x0  }
0x7d: {  	s3 =	rddreg [dreg:$0x2];
	[bflag:$0x3] =	sbarrier.arrive $0xFFFF;
	s2 =	simm.s32 @!p0 $0x1C01  }
0x7e: {  	[timem:s3], [sflag:s2] =	dma.local @!p0 [hbm:s0], s1  }
0x7f: {  	s0 =	simm.s32 @!p0 $0x1  }
0x80: {  	_ =	swait.ge @!p0 [sflag:s0], s1  }
0x81: {  	s1 =	ssub.s32 @!p0 $0x0, s1;
	[sflag:s0] =	ssyncset.done @!p0 $0x0  }
0x82: {  	[sflag:s0] =	ssyncadd.s32 @!p0 s1  }
0x83: {  	[bflag:$0x3] =	sbarrier.arrive $0xFFFF  }
0x84: {  	_ =	shalt  }

</sc_bundles>
